<compile_context>
chip_gen: v7x
topology: tpu7x:2x2x1
jax: 0.10.2.dev20260603
libtpu: 0.0.44.dev20260713+nightly
codegen_flags: <defaults>
</compile_context>

<pallas_src>
import jax
import jax.numpy as jnp
from jax import lax
from jax.experimental import pallas as pl
from jax.experimental.pallas import tpu as pltpu
from jax.experimental.pallas import tpu_sc as plsc

B = 4
N = 160000
D = 128
S = 10000
NC = 2
NS = 16

C = 80
CPT = N // (NS * C)
TAIL = ((CPT - 4) % 3) + 2
ROWS_PER_TILE = C * CPT
IDROWS = N // C
SEG_PER_TILE = S // NS
ZROWS = C
ZREM = SEG_PER_TILE % ZROWS


def _seg_body(data_hbm, ids_hbm, out_hbm, idx_w, chunk_a, chunk_b, chunk_c,
              zero_v, acc_sh, sem_la, sem_lb, sem_lc, sem_i, sem_z):
    c = lax.axis_index("c")
    s = lax.axis_index("s")

    def _zf(k, carry):
        zero_v[k // (D // 16), pl.ds((k % (D // 16)) * 16, 16)] = (
            jnp.zeros((16,), jnp.float32))
        return carry
    lax.fori_loop(0, ZROWS * (D // 16), _zf, 0)

    row0 = s * ROWS_PER_TILE
    idrow0 = s * CPT

    def _load(batch, j, buf, sem):
        pltpu.async_copy(
            data_hbm.at[batch, pl.ds(row0 + j * C, C)], buf, sem)

    def _wait_load(batch, buf, sem):
        pltpu.make_async_copy(
            data_hbm.at[batch, pl.ds(row0, C)], buf, sem).wait()

    def _prefire(batch):
        pltpu.async_copy(ids_hbm.at[batch, pl.ds(idrow0, CPT)], idx_w, sem_i)
        _load(batch, 0, chunk_a, sem_la)
        _load(batch, 1, chunk_b, sem_lb)

    def _zero_fire_drain():
        zero_d = [
            pltpu.async_copy(
                zero_v, acc_sh.at[pl.ds(s * SEG_PER_TILE + k * ZROWS, ZROWS)],
                sem_z)
            for k in range(SEG_PER_TILE // ZROWS)
        ]
        zero_d.append(pltpu.async_copy(
            zero_v.at[pl.ds(0, ZREM)],
            acc_sh.at[pl.ds(s * SEG_PER_TILE + (SEG_PER_TILE // ZROWS) * ZROWS,
                            ZREM)],
            sem_z))
        for d in zero_d:
            d.wait()

    def _ids_drain(batch):
        pltpu.make_async_copy(
            ids_hbm.at[batch, pl.ds(idrow0, CPT)], idx_w, sem_i).wait()

    def _main_loop(batch):
        def _step(j, buf, sem, nxt):
            _wait_load(batch, buf, sem)
            if nxt is not None:
                nb, nsem = nxt
                _load(batch, j + 2, nb, nsem)
            pltpu.sync_copy(buf, acc_sh.at[idx_w.at[j]], add=True)

        bufs = {0: (chunk_a, sem_la), 1: (chunk_b, sem_lb),
                2: (chunk_c, sem_lc)}

        _step(0, chunk_a, sem_la, bufs[2])
        _step(1, chunk_b, sem_lb, bufs[0])

        def _tri(t, carry):
            j = 3 * t + 2
            _step(j, chunk_c, sem_lc, bufs[1])
            _step(j + 1, chunk_a, sem_la, bufs[2])
            _step(j + 2, chunk_b, sem_lb, bufs[0])
            return carry
        lax.fori_loop(0, (CPT - 2 - TAIL) // 3, _tri, 0)

        for j in range(CPT - TAIL, CPT):
            _step(j, *bufs[j % 3],
                  bufs[(j + 2) % 3] if j + 2 < CPT else None)

    def _copy_out(batch):
        pltpu.sync_copy(
            acc_sh.at[pl.ds(s * SEG_PER_TILE, SEG_PER_TILE)],
            out_hbm.at[batch, pl.ds(s * SEG_PER_TILE, SEG_PER_TILE)])

    def _flush_scatters():
        pltpu.sync_copy(zero_v, acc_sh.at[idx_w.at[CPT - 1]], add=True)

    b0 = c * (B // NC)
    _prefire(b0)
    _zero_fire_drain()
    _ids_drain(b0)
    plsc.subcore_barrier()
    _main_loop(b0)
    _flush_scatters()
    plsc.subcore_barrier()
    _copy_out(b0)
    plsc.subcore_barrier()

    _prefire(b0 + 1)
    _zero_fire_drain()
    _ids_drain(b0 + 1)
    plsc.subcore_barrier()
    _main_loop(b0 + 1)
    _flush_scatters()
    plsc.subcore_barrier()
    _copy_out(b0 + 1)


@jax.jit
def kernel(data, segment_ids):
    ids32 = segment_ids.astype(jnp.int32).reshape(B, IDROWS, C)
    mesh = plsc.VectorSubcoreMesh(core_axis_name="c", subcore_axis_name="s")
    return pl.kernel(
        _seg_body,
        out_type=jax.ShapeDtypeStruct((B, S, D), jnp.float32),
        mesh=mesh,
        compiler_params=pltpu.CompilerParams(use_tc_tiling_on_sc=False),
        scratch_types=[
            pltpu.VMEM((CPT, C), jnp.int32),
            pltpu.VMEM((C, D), jnp.float32),
            pltpu.VMEM((C, D), jnp.float32),
            pltpu.VMEM((C, D), jnp.float32),
            pltpu.VMEM((ZROWS, D), jnp.float32),
            pltpu.VMEM_SHARED((S, D), jnp.float32),
            pltpu.SemaphoreType.DMA,
            pltpu.SemaphoreType.DMA,
            pltpu.SemaphoreType.DMA,
            pltpu.SemaphoreType.DMA,
            pltpu.SemaphoreType.DMA,
        ],
    )(data, ids32)

# --- scband reference (transcript-rebuilt; emitter-appended) ---
"""Pipeline reference for scband-segment-aggregation-23691039605162 (READ-ONLY COPY).

The authoritative reference and input builder live on the scoring server;
editing this copy changes nothing except your own understanding.
"""

import jax, jax.numpy as jnp
import numpy as np

NUM_SEGMENTS = 10000

def setup_inputs(seed: int = 0) -> dict:
    key = jax.random.key(seed)
    k1, k2 = jax.random.split(key)
    data = jax.random.normal(k1, (4, 160000, 128), dtype=jnp.float32)
    segment_ids = jnp.sort(jax.random.randint(k2, (4, 160000), 0, NUM_SEGMENTS, dtype=jnp.int64), axis=-1)
    return {"data": data, "segment_ids": segment_ids}

def reference(data, segment_ids):
    # Faithful to tf.math.segment_sum applied per leading-dim element:
    # output[i] = segment_sum(data[i], segment_ids[i]).
    # segment_ids are sorted and densely cover [0, NUM_SEGMENTS), so TF's
    # (max_id + 1)-row output equals a fixed NUM_SEGMENTS-row output.
    outs = []
    for i in range(data.shape[0]):
        outs.append(jax.ops.segment_sum(data[i], segment_ids[i], num_segments=NUM_SEGMENTS))
    return jnp.stack(outs, axis=0)

if __name__ == "__main__":
    import jax
    _d = setup_inputs()
    print(jax.jit(kernel)(*tuple(_d.values())))

</pallas_src>

<mosaic_0001>
#map = affine_map<(d0, d1) -> (0, 0, 0)>
module attributes {stable_mosaic.version = 14 : i64} {
  func.func @_seg_body(%arg0: i32, %arg1: i32, %arg2: memref<4x160000x128xf32, #tpu.memory_space<hbm>>, %arg3: memref<4x2000x80xi32, #tpu.memory_space<hbm>>, %arg4: memref<4x10000x128xf32, #tpu.memory_space<hbm>>, %arg5: memref<125x80xi32, #tpu.memory_space<vmem>>, %arg6: memref<80x128xf32, #tpu.memory_space<vmem>>, %arg7: memref<80x128xf32, #tpu.memory_space<vmem>>, %arg8: memref<80x128xf32, #tpu.memory_space<vmem>>, %arg9: memref<80x128xf32, #tpu.memory_space<vmem>>, %arg10: memref<10000x128xf32, #tpu.memory_space<vmem_shared>>, %arg11: memref<!tpu.dma_semaphore, #tpu.memory_space<semaphore_mem>>, %arg12: memref<!tpu.dma_semaphore, #tpu.memory_space<semaphore_mem>>, %arg13: memref<!tpu.dma_semaphore, #tpu.memory_space<semaphore_mem>>, %arg14: memref<!tpu.dma_semaphore, #tpu.memory_space<semaphore_mem>>, %arg15: memref<!tpu.dma_semaphore, #tpu.memory_space<semaphore_mem>>) attributes {dimension_semantics = [#tpu.dimension_semantics<core_parallel>, #tpu.dimension_semantics<subcore_parallel>], iteration_bounds = array<i64: 2, 16>, scalar_prefetch = 0 : i64, scratch_operands = 11 : i64, tpu.core_type = #tpu.core_type<sc_vector_subcore>, window_params = [{transform_indices = #map}, {transform_indices = #map}, {transform_indices = #map}]} {
    %scan3A = arith.constant 0 : i32
    %scan3A_0 = arith.constant 0 : i32
    %scan3A_1 = arith.constant 640 : i32
    %scan3A_2 = arith.addi %scan3A_0, %scan3A_1 : i32
    %scan3A_3 = arith.constant 1 : i32
    scf.for %scan3A_430 = %scan3A_0 to %scan3A_2 step %scan3A_3  : i32 {
      %broadcast_in_dim3A = arith.constant 0.000000e+00 : f32
      %broadcast_in_dim3A_431 = vector.broadcast %broadcast_in_dim3A : f32 to vector<16xf32>
      %jit3A = arith.constant 8 : i32
      %div3A = arith.divsi %scan3A_430, %jit3A : i32
      %sign3A = arith.constant 0 : i32
      %sign3A_432 = arith.cmpi sgt, %scan3A_430, %sign3A : i32
      %sign3A_433 = arith.extui %sign3A_432 : i1 to i32
      %sign3A_434 = arith.constant 0 : i32
      %sign3A_435 = arith.cmpi slt, %scan3A_430, %sign3A_434 : i32
      %sign3A_436 = arith.extui %sign3A_435 : i1 to i32
      %sign3A_437 = arith.subi %sign3A_433, %sign3A_436 : i32
      %sign3A_438 = arith.constant 0 : i32
      %sign3A_439 = arith.cmpi sgt, %jit3A, %sign3A_438 : i32
      %sign3A_440 = arith.extui %sign3A_439 : i1 to i32
      %sign3A_441 = arith.constant 0 : i32
      %sign3A_442 = arith.cmpi slt, %jit3A, %sign3A_441 : i32
      %sign3A_443 = arith.extui %sign3A_442 : i1 to i32
      %sign3A_444 = arith.subi %sign3A_440, %sign3A_443 : i32
      %ne3A = arith.cmpi ne, %sign3A_437, %sign3A_444 : i32
      %rem3A = arith.remsi %scan3A_430, %jit3A : i32
      %ne3A_445 = arith.constant 0 : i32
      %ne3A_446 = arith.cmpi ne, %rem3A, %ne3A_445 : i32
      %and3A = arith.andi %ne3A, %ne3A_446 : i1
      %sub3A = arith.constant 1 : i32
      %sub3A_447 = arith.subi %div3A, %sub3A : i32
      %select_n3A = arith.select %and3A, %sub3A_447, %div3A : i32
      %jit3A_448 = arith.constant 8 : i32
      %eq3A = arith.constant 0 : i32
      %eq3A_449 = arith.cmpi eq, %jit3A_448, %eq3A : i32
      %jit3A_450 = arith.constant 1 : i32
      %select_n3A_451 = arith.select %eq3A_449, %jit3A_450, %jit3A_448 : i32
      %rem3A_452 = arith.remsi %scan3A_430, %select_n3A_451 : i32
      %ne3A_453 = arith.constant 0 : i32
      %ne3A_454 = arith.cmpi ne, %rem3A_452, %ne3A_453 : i32
      %lt3A = arith.constant 0 : i32
      %lt3A_455 = arith.cmpi slt, %rem3A_452, %lt3A : i32
      %lt3A_456 = arith.constant 0 : i32
      %lt3A_457 = arith.cmpi slt, %select_n3A_451, %lt3A_456 : i32
      %ne3A_458 = arith.xori %lt3A_455, %lt3A_457 : i1
      %and3A_459 = arith.andi %ne3A_458, %ne3A_454 : i1
      %add3A_460 = arith.addi %rem3A_452, %select_n3A_451 : i32
      %select_n3A_461 = arith.select %and3A_459, %add3A_460, %rem3A_452 : i32
      %mul3A_462 = arith.constant 16 : i32
      %mul3A_463 = arith.muli %select_n3A_461, %mul3A_462 : i32
      %swap3A = arith.index_cast %select_n3A : i32 to index
      %swap3A_464 = arith.index_cast %mul3A_463 : i32 to index
      %swap3A_465 = tpu.vector_load %arg9[%swap3A, %swap3A_464] {strides = array<i32>} : memref<80x128xf32, #tpu.memory_space<vmem>>, vector<1x16xf32>,
      %swap3A_466 = vector.shape_cast %swap3A_465 : vector<1x16xf32> to vector<16xf32>
      %swap3A_467 = vector.shape_cast %broadcast_in_dim3A_431 : vector<16xf32> to vector<1x16xf32>
      tpu.vector_store %arg9[%swap3A, %swap3A_464], %swap3A_467 {strides = array<i32>} : memref<80x128xf32, #tpu.memory_space<vmem>>, vector<1x16xf32>,
    }
    %scan3A_4 = arith.constant 640 : i32
    %mul3A = arith.constant 10000 : i32
    %mul3A_5 = arith.muli %arg1, %mul3A : i32
    %mul3A_6 = arith.constant 125 : i32
    %mul3A_7 = arith.muli %arg1, %mul3A_6 : i32
    %mul3A_8 = arith.constant 2 : i32
    %mul3A_9 = arith.muli %arg0, %mul3A_8 : i32
    %dma_start3A = arith.constant 0 : i32
    %dma_start3A_10 = tpu.memref_slice %arg3[%mul3A_9, %mul3A_7, %dma_start3A] : memref<4x2000x80xi32, #tpu.memory_space<hbm>> -> memref<1x125x80xi32, #tpu.memory_space<hbm>>
    %dma_start3A_11 = tpu.memref_squeeze %dma_start3A_10 : memref<1x125x80xi32, #tpu.memory_space<hbm>> -> memref<125x80xi32, #tpu.memory_space<hbm>>
    %dma_start3A_12 = arith.constant 0 : i32
    %dma_start3A_13 = tpu.memref_slice %arg3[%mul3A_9, %mul3A_7, %dma_start3A_12] : memref<4x2000x80xi32, #tpu.memory_space<hbm>> -> memref<1x125x80xi32, #tpu.memory_space<hbm>>
    %dma_start3A_14 = tpu.memref_squeeze %dma_start3A_13 : memref<1x125x80xi32, #tpu.memory_space<hbm>> -> memref<125x80xi32, #tpu.memory_space<hbm>>
    tpu.enqueue_dma source(%dma_start3A_14 : memref<125x80xi32, #tpu.memory_space<hbm>>) target(%arg5 : memref<125x80xi32, #tpu.memory_space<vmem>>) target_semaphore(%arg14 : memref<!tpu.dma_semaphore, #tpu.memory_space<semaphore_mem>>)
    %add3A = arith.constant 0 : i32
    %add3A_15 = arith.addi %mul3A_5, %add3A : i32
    %dma_start3A_16 = arith.constant 0 : i32
    %dma_start3A_17 = tpu.memref_slice %arg2[%mul3A_9, %add3A_15, %dma_start3A_16] : memref<4x160000x128xf32, #tpu.memory_space<hbm>> -> memref<1x80x128xf32, #tpu.memory_space<hbm>>
    %dma_start3A_18 = tpu.memref_squeeze %dma_start3A_17 : memref<1x80x128xf32, #tpu.memory_space<hbm>> -> memref<80x128xf32, #tpu.memory_space<hbm>>
    %dma_start3A_19 = arith.constant 0 : i32
    %dma_start3A_20 = tpu.memref_slice %arg2[%mul3A_9, %add3A_15, %dma_start3A_19] : memref<4x160000x128xf32, #tpu.memory_space<hbm>> -> memref<1x80x128xf32, #tpu.memory_space<hbm>>
    %dma_start3A_21 = tpu.memref_squeeze %dma_start3A_20 : memref<1x80x128xf32, #tpu.memory_space<hbm>> -> memref<80x128xf32, #tpu.memory_space<hbm>>
    tpu.enqueue_dma source(%dma_start3A_21 : memref<80x128xf32, #tpu.memory_space<hbm>>) target(%arg6 : memref<80x128xf32, #tpu.memory_space<vmem>>) target_semaphore(%arg11 : memref<!tpu.dma_semaphore, #tpu.memory_space<semaphore_mem>>)
    %add3A_22 = arith.constant 80 : i32
    %add3A_23 = arith.addi %mul3A_5, %add3A_22 : i32
    %dma_start3A_24 = arith.constant 0 : i32
    %dma_start3A_25 = tpu.memref_slice %arg2[%mul3A_9, %add3A_23, %dma_start3A_24] : memref<4x160000x128xf32, #tpu.memory_space<hbm>> -> memref<1x80x128xf32, #tpu.memory_space<hbm>>
    %dma_start3A_26 = tpu.memref_squeeze %dma_start3A_25 : memref<1x80x128xf32, #tpu.memory_space<hbm>> -> memref<80x128xf32, #tpu.memory_space<hbm>>
    %dma_start3A_27 = arith.constant 0 : i32
    %dma_start3A_28 = tpu.memref_slice %arg2[%mul3A_9, %add3A_23, %dma_start3A_27] : memref<4x160000x128xf32, #tpu.memory_space<hbm>> -> memref<1x80x128xf32, #tpu.memory_space<hbm>>
    %dma_start3A_29 = tpu.memref_squeeze %dma_start3A_28 : memref<1x80x128xf32, #tpu.memory_space<hbm>> -> memref<80x128xf32, #tpu.memory_space<hbm>>
    tpu.enqueue_dma source(%dma_start3A_29 : memref<80x128xf32, #tpu.memory_space<hbm>>) target(%arg7 : memref<80x128xf32, #tpu.memory_space<vmem>>) target_semaphore(%arg12 : memref<!tpu.dma_semaphore, #tpu.memory_space<semaphore_mem>>)
    %mul3A_30 = arith.constant 625 : i32
    %mul3A_31 = arith.muli %arg1, %mul3A_30 : i32
    %add3A_32 = arith.constant 0 : i32
    %add3A_33 = arith.addi %mul3A_31, %add3A_32 : i32
    %dma_start3A_34 = arith.constant 0 : i32
    %dma_start3A_35 = tpu.memref_slice %arg10[%add3A_33, %dma_start3A_34] : memref<10000x128xf32, #tpu.memory_space<vmem_shared>> -> memref<80x128xf32, #tpu.memory_space<vmem_shared>>
    %dma_start3A_36 = arith.constant 0 : i32
    %dma_start3A_37 = tpu.memref_slice %arg10[%add3A_33, %dma_start3A_36] : memref<10000x128xf32, #tpu.memory_space<vmem_shared>> -> memref<80x128xf32, #tpu.memory_space<vmem_shared>>
    tpu.enqueue_dma source(%arg9 : memref<80x128xf32, #tpu.memory_space<vmem>>) target(%dma_start3A_37 : memref<80x128xf32, #tpu.memory_space<vmem_shared>>) target_semaphore(%arg15 : memref<!tpu.dma_semaphore, #tpu.memory_space<semaphore_mem>>)
    %mul3A_38 = arith.constant 625 : i32
    %mul3A_39 = arith.muli %arg1, %mul3A_38 : i32
    %add3A_40 = arith.constant 80 : i32
    %add3A_41 = arith.addi %mul3A_39, %add3A_40 : i32
    %dma_start3A_42 = arith.constant 0 : i32
    %dma_start3A_43 = tpu.memref_slice %arg10[%add3A_41, %dma_start3A_42] : memref<10000x128xf32, #tpu.memory_space<vmem_shared>> -> memref<80x128xf32, #tpu.memory_space<vmem_shared>>
    %dma_start3A_44 = arith.constant 0 : i32
    %dma_start3A_45 = tpu.memref_slice %arg10[%add3A_41, %dma_start3A_44] : memref<10000x128xf32, #tpu.memory_space<vmem_shared>> -> memref<80x128xf32, #tpu.memory_space<vmem_shared>>
    tpu.enqueue_dma source(%arg9 : memref<80x128xf32, #tpu.memory_space<vmem>>) target(%dma_start3A_45 : memref<80x128xf32, #tpu.memory_space<vmem_shared>>) target_semaphore(%arg15 : memref<!tpu.dma_semaphore, #tpu.memory_space<semaphore_mem>>)
    %mul3A_46 = arith.constant 625 : i32
    %mul3A_47 = arith.muli %arg1, %mul3A_46 : i32
    %add3A_48 = arith.constant 160 : i32
    %add3A_49 = arith.addi %mul3A_47, %add3A_48 : i32
    %dma_start3A_50 = arith.constant 0 : i32
    %dma_start3A_51 = tpu.memref_slice %arg10[%add3A_49, %dma_start3A_50] : memref<10000x128xf32, #tpu.memory_space<vmem_shared>> -> memref<80x128xf32, #tpu.memory_space<vmem_shared>>
    %dma_start3A_52 = arith.constant 0 : i32
    %dma_start3A_53 = tpu.memref_slice %arg10[%add3A_49, %dma_start3A_52] : memref<10000x128xf32, #tpu.memory_space<vmem_shared>> -> memref<80x128xf32, #tpu.memory_space<vmem_shared>>
    tpu.enqueue_dma source(%arg9 : memref<80x128xf32, #tpu.memory_space<vmem>>) target(%dma_start3A_53 : memref<80x128xf32, #tpu.memory_space<vmem_shared>>) target_semaphore(%arg15 : memref<!tpu.dma_semaphore, #tpu.memory_space<semaphore_mem>>)
    %mul3A_54 = arith.constant 625 : i32
    %mul3A_55 = arith.muli %arg1, %mul3A_54 : i32
    %add3A_56 = arith.constant 240 : i32
    %add3A_57 = arith.addi %mul3A_55, %add3A_56 : i32
    %dma_start3A_58 = arith.constant 0 : i32
    %dma_start3A_59 = tpu.memref_slice %arg10[%add3A_57, %dma_start3A_58] : memref<10000x128xf32, #tpu.memory_space<vmem_shared>> -> memref<80x128xf32, #tpu.memory_space<vmem_shared>>
    %dma_start3A_60 = arith.constant 0 : i32
    %dma_start3A_61 = tpu.memref_slice %arg10[%add3A_57, %dma_start3A_60] : memref<10000x128xf32, #tpu.memory_space<vmem_shared>> -> memref<80x128xf32, #tpu.memory_space<vmem_shared>>
    tpu.enqueue_dma source(%arg9 : memref<80x128xf32, #tpu.memory_space<vmem>>) target(%dma_start3A_61 : memref<80x128xf32, #tpu.memory_space<vmem_shared>>) target_semaphore(%arg15 : memref<!tpu.dma_semaphore, #tpu.memory_space<semaphore_mem>>)
    %mul3A_62 = arith.constant 625 : i32
    %mul3A_63 = arith.muli %arg1, %mul3A_62 : i32
    %add3A_64 = arith.constant 320 : i32
    %add3A_65 = arith.addi %mul3A_63, %add3A_64 : i32
    %dma_start3A_66 = arith.constant 0 : i32
    %dma_start3A_67 = tpu.memref_slice %arg10[%add3A_65, %dma_start3A_66] : memref<10000x128xf32, #tpu.memory_space<vmem_shared>> -> memref<80x128xf32, #tpu.memory_space<vmem_shared>>
    %dma_start3A_68 = arith.constant 0 : i32
    %dma_start3A_69 = tpu.memref_slice %arg10[%add3A_65, %dma_start3A_68] : memref<10000x128xf32, #tpu.memory_space<vmem_shared>> -> memref<80x128xf32, #tpu.memory_space<vmem_shared>>
    tpu.enqueue_dma source(%arg9 : memref<80x128xf32, #tpu.memory_space<vmem>>) target(%dma_start3A_69 : memref<80x128xf32, #tpu.memory_space<vmem_shared>>) target_semaphore(%arg15 : memref<!tpu.dma_semaphore, #tpu.memory_space<semaphore_mem>>)
    %mul3A_70 = arith.constant 625 : i32
    %mul3A_71 = arith.muli %arg1, %mul3A_70 : i32
    %add3A_72 = arith.constant 400 : i32
    %add3A_73 = arith.addi %mul3A_71, %add3A_72 : i32
    %dma_start3A_74 = arith.constant 0 : i32
    %dma_start3A_75 = tpu.memref_slice %arg10[%add3A_73, %dma_start3A_74] : memref<10000x128xf32, #tpu.memory_space<vmem_shared>> -> memref<80x128xf32, #tpu.memory_space<vmem_shared>>
    %dma_start3A_76 = arith.constant 0 : i32
    %dma_start3A_77 = tpu.memref_slice %arg10[%add3A_73, %dma_start3A_76] : memref<10000x128xf32, #tpu.memory_space<vmem_shared>> -> memref<80x128xf32, #tpu.memory_space<vmem_shared>>
    tpu.enqueue_dma source(%arg9 : memref<80x128xf32, #tpu.memory_space<vmem>>) target(%dma_start3A_77 : memref<80x128xf32, #tpu.memory_space<vmem_shared>>) target_semaphore(%arg15 : memref<!tpu.dma_semaphore, #tpu.memory_space<semaphore_mem>>)
    %mul3A_78 = arith.constant 625 : i32
    %mul3A_79 = arith.muli %arg1, %mul3A_78 : i32
    %add3A_80 = arith.constant 480 : i32
    %add3A_81 = arith.addi %mul3A_79, %add3A_80 : i32
    %dma_start3A_82 = arith.constant 0 : i32
    %dma_start3A_83 = tpu.memref_slice %arg10[%add3A_81, %dma_start3A_82] : memref<10000x128xf32, #tpu.memory_space<vmem_shared>> -> memref<80x128xf32, #tpu.memory_space<vmem_shared>>
    %dma_start3A_84 = arith.constant 0 : i32
    %dma_start3A_85 = tpu.memref_slice %arg10[%add3A_81, %dma_start3A_84] : memref<10000x128xf32, #tpu.memory_space<vmem_shared>> -> memref<80x128xf32, #tpu.memory_space<vmem_shared>>
    tpu.enqueue_dma source(%arg9 : memref<80x128xf32, #tpu.memory_space<vmem>>) target(%dma_start3A_85 : memref<80x128xf32, #tpu.memory_space<vmem_shared>>) target_semaphore(%arg15 : memref<!tpu.dma_semaphore, #tpu.memory_space<semaphore_mem>>)
    %mul3A_86 = arith.constant 625 : i32
    %mul3A_87 = arith.muli %arg1, %mul3A_86 : i32
    %add3A_88 = arith.constant 560 : i32
    %add3A_89 = arith.addi %mul3A_87, %add3A_88 : i32
    %dma_start3A_90 = arith.constant 0 : i32
    %dma_start3A_91 = arith.constant 0 : i32
    %dma_start3A_92 = tpu.memref_slice %arg9[%dma_start3A_90, %dma_start3A_91] : memref<80x128xf32, #tpu.memory_space<vmem>> -> memref<65x128xf32, #tpu.memory_space<vmem>>
    %dma_start3A_93 = arith.constant 0 : i32
    %dma_start3A_94 = tpu.memref_slice %arg10[%add3A_89, %dma_start3A_93] : memref<10000x128xf32, #tpu.memory_space<vmem_shared>> -> memref<65x128xf32, #tpu.memory_space<vmem_shared>>
    %dma_start3A_95 = arith.constant 0 : i32
    %dma_start3A_96 = tpu.memref_slice %arg10[%add3A_89, %dma_start3A_95] : memref<10000x128xf32, #tpu.memory_space<vmem_shared>> -> memref<65x128xf32, #tpu.memory_space<vmem_shared>>
    %dma_start3A_97 = arith.constant 0 : i32
    %dma_start3A_98 = arith.constant 0 : i32
    %dma_start3A_99 = tpu.memref_slice %arg9[%dma_start3A_97, %dma_start3A_98] : memref<80x128xf32, #tpu.memory_space<vmem>> -> memref<65x128xf32, #tpu.memory_space<vmem>>
    tpu.enqueue_dma source(%dma_start3A_99 : memref<65x128xf32, #tpu.memory_space<vmem>>) target(%dma_start3A_96 : memref<65x128xf32, #tpu.memory_space<vmem_shared>>) target_semaphore(%arg15 : memref<!tpu.dma_semaphore, #tpu.memory_space<semaphore_mem>>)
    %dma_wait3A = arith.constant 0 : i32
    %dma_wait3A_100 = tpu.memref_slice %arg10[%add3A_33, %dma_wait3A] : memref<10000x128xf32, #tpu.memory_space<vmem_shared>> -> memref<80x128xf32, #tpu.memory_space<vmem_shared>>
    %dma_wait3A_101 = arith.constant 0 : i32
    %dma_wait3A_102 = tpu.memref_slice %arg10[%add3A_33, %dma_wait3A_101] : memref<10000x128xf32, #tpu.memory_space<vmem_shared>> -> memref<80x128xf32, #tpu.memory_space<vmem_shared>>
    tpu.wait_dma2 semaphore(%arg15 : memref<!tpu.dma_semaphore, #tpu.memory_space<semaphore_mem>>) src(%arg9 : memref<80x128xf32, #tpu.memory_space<vmem>>) dst(%dma_wait3A_102 : memref<80x128xf32, #tpu.memory_space<vmem_shared>>)
    %dma_wait3A_103 = arith.constant 0 : i32
    %dma_wait3A_104 = tpu.memref_slice %arg10[%add3A_41, %dma_wait3A_103] : memref<10000x128xf32, #tpu.memory_space<vmem_shared>> -> memref<80x128xf32, #tpu.memory_space<vmem_shared>>
    %dma_wait3A_105 = arith.constant 0 : i32
    %dma_wait3A_106 = tpu.memref_slice %arg10[%add3A_41, %dma_wait3A_105] : memref<10000x128xf32, #tpu.memory_space<vmem_shared>> -> memref<80x128xf32, #tpu.memory_space<vmem_shared>>
    tpu.wait_dma2 semaphore(%arg15 : memref<!tpu.dma_semaphore, #tpu.memory_space<semaphore_mem>>) src(%arg9 : memref<80x128xf32, #tpu.memory_space<vmem>>) dst(%dma_wait3A_106 : memref<80x128xf32, #tpu.memory_space<vmem_shared>>)
    %dma_wait3A_107 = arith.constant 0 : i32
    %dma_wait3A_108 = tpu.memref_slice %arg10[%add3A_49, %dma_wait3A_107] : memref<10000x128xf32, #tpu.memory_space<vmem_shared>> -> memref<80x128xf32, #tpu.memory_space<vmem_shared>>
    %dma_wait3A_109 = arith.constant 0 : i32
    %dma_wait3A_110 = tpu.memref_slice %arg10[%add3A_49, %dma_wait3A_109] : memref<10000x128xf32, #tpu.memory_space<vmem_shared>> -> memref<80x128xf32, #tpu.memory_space<vmem_shared>>
    tpu.wait_dma2 semaphore(%arg15 : memref<!tpu.dma_semaphore, #tpu.memory_space<semaphore_mem>>) src(%arg9 : memref<80x128xf32, #tpu.memory_space<vmem>>) dst(%dma_wait3A_110 : memref<80x128xf32, #tpu.memory_space<vmem_shared>>)
    %dma_wait3A_111 = arith.constant 0 : i32
    %dma_wait3A_112 = tpu.memref_slice %arg10[%add3A_57, %dma_wait3A_111] : memref<10000x128xf32, #tpu.memory_space<vmem_shared>> -> memref<80x128xf32, #tpu.memory_space<vmem_shared>>
    %dma_wait3A_113 = arith.constant 0 : i32
    %dma_wait3A_114 = tpu.memref_slice %arg10[%add3A_57, %dma_wait3A_113] : memref<10000x128xf32, #tpu.memory_space<vmem_shared>> -> memref<80x128xf32, #tpu.memory_space<vmem_shared>>
    tpu.wait_dma2 semaphore(%arg15 : memref<!tpu.dma_semaphore, #tpu.memory_space<semaphore_mem>>) src(%arg9 : memref<80x128xf32, #tpu.memory_space<vmem>>) dst(%dma_wait3A_114 : memref<80x128xf32, #tpu.memory_space<vmem_shared>>)
    %dma_wait3A_115 = arith.constant 0 : i32
    %dma_wait3A_116 = tpu.memref_slice %arg10[%add3A_65, %dma_wait3A_115] : memref<10000x128xf32, #tpu.memory_space<vmem_shared>> -> memref<80x128xf32, #tpu.memory_space<vmem_shared>>
    %dma_wait3A_117 = arith.constant 0 : i32
    %dma_wait3A_118 = tpu.memref_slice %arg10[%add3A_65, %dma_wait3A_117] : memref<10000x128xf32, #tpu.memory_space<vmem_shared>> -> memref<80x128xf32, #tpu.memory_space<vmem_shared>>
    tpu.wait_dma2 semaphore(%arg15 : memref<!tpu.dma_semaphore, #tpu.memory_space<semaphore_mem>>) src(%arg9 : memref<80x128xf32, #tpu.memory_space<vmem>>) dst(%dma_wait3A_118 : memref<80x128xf32, #tpu.memory_space<vmem_shared>>)
    %dma_wait3A_119 = arith.constant 0 : i32
    %dma_wait3A_120 = tpu.memref_slice %arg10[%add3A_73, %dma_wait3A_119] : memref<10000x128xf32, #tpu.memory_space<vmem_shared>> -> memref<80x128xf32, #tpu.memory_space<vmem_shared>>
    %dma_wait3A_121 = arith.constant 0 : i32
    %dma_wait3A_122 = tpu.memref_slice %arg10[%add3A_73, %dma_wait3A_121] : memref<10000x128xf32, #tpu.memory_space<vmem_shared>> -> memref<80x128xf32, #tpu.memory_space<vmem_shared>>
    tpu.wait_dma2 semaphore(%arg15 : memref<!tpu.dma_semaphore, #tpu.memory_space<semaphore_mem>>) src(%arg9 : memref<80x128xf32, #tpu.memory_space<vmem>>) dst(%dma_wait3A_122 : memref<80x128xf32, #tpu.memory_space<vmem_shared>>)
    %dma_wait3A_123 = arith.constant 0 : i32
    %dma_wait3A_124 = tpu.memref_slice %arg10[%add3A_81, %dma_wait3A_123] : memref<10000x128xf32, #tpu.memory_space<vmem_shared>> -> memref<80x128xf32, #tpu.memory_space<vmem_shared>>
    %dma_wait3A_125 = arith.constant 0 : i32
    %dma_wait3A_126 = tpu.memref_slice %arg10[%add3A_81, %dma_wait3A_125] : memref<10000x128xf32, #tpu.memory_space<vmem_shared>> -> memref<80x128xf32, #tpu.memory_space<vmem_shared>>
    tpu.wait_dma2 semaphore(%arg15 : memref<!tpu.dma_semaphore, #tpu.memory_space<semaphore_mem>>) src(%arg9 : memref<80x128xf32, #tpu.memory_space<vmem>>) dst(%dma_wait3A_126 : memref<80x128xf32, #tpu.memory_space<vmem_shared>>)
    %dma_wait3A_127 = arith.constant 0 : i32
    %dma_wait3A_128 = arith.constant 0 : i32
    %dma_wait3A_129 = tpu.memref_slice %arg9[%dma_wait3A_127, %dma_wait3A_128] : memref<80x128xf32, #tpu.memory_space<vmem>> -> memref<65x128xf32, #tpu.memory_space<vmem>>
    %dma_wait3A_130 = arith.constant 0 : i32
    %dma_wait3A_131 = tpu.memref_slice %arg10[%add3A_89, %dma_wait3A_130] : memref<10000x128xf32, #tpu.memory_space<vmem_shared>> -> memref<65x128xf32, #tpu.memory_space<vmem_shared>>
    %dma_wait3A_132 = arith.constant 0 : i32
    %dma_wait3A_133 = tpu.memref_slice %arg10[%add3A_89, %dma_wait3A_132] : memref<10000x128xf32, #tpu.memory_space<vmem_shared>> -> memref<65x128xf32, #tpu.memory_space<vmem_shared>>
    %dma_wait3A_134 = arith.constant 0 : i32
    %dma_wait3A_135 = arith.constant 0 : i32
    %dma_wait3A_136 = tpu.memref_slice %arg9[%dma_wait3A_134, %dma_wait3A_135] : memref<80x128xf32, #tpu.memory_space<vmem>> -> memref<65x128xf32, #tpu.memory_space<vmem>>
    tpu.wait_dma2 semaphore(%arg15 : memref<!tpu.dma_semaphore, #tpu.memory_space<semaphore_mem>>) src(%dma_wait3A_136 : memref<65x128xf32, #tpu.memory_space<vmem>>) dst(%dma_wait3A_133 : memref<65x128xf32, #tpu.memory_space<vmem_shared>>)
    %dma_wait3A_137 = arith.constant 0 : i32
    %dma_wait3A_138 = tpu.memref_slice %arg3[%mul3A_9, %mul3A_7, %dma_wait3A_137] : memref<4x2000x80xi32, #tpu.memory_space<hbm>> -> memref<1x125x80xi32, #tpu.memory_space<hbm>>
    %dma_wait3A_139 = tpu.memref_squeeze %dma_wait3A_138 : memref<1x125x80xi32, #tpu.memory_space<hbm>> -> memref<125x80xi32, #tpu.memory_space<hbm>>
    %dma_wait3A_140 = arith.constant 0 : i32
    %dma_wait3A_141 = tpu.memref_slice %arg3[%mul3A_9, %mul3A_7, %dma_wait3A_140] : memref<4x2000x80xi32, #tpu.memory_space<hbm>> -> memref<1x125x80xi32, #tpu.memory_space<hbm>>
    %dma_wait3A_142 = tpu.memref_squeeze %dma_wait3A_141 : memref<1x125x80xi32, #tpu.memory_space<hbm>> -> memref<125x80xi32, #tpu.memory_space<hbm>>
    tpu.wait_dma2 semaphore(%arg14 : memref<!tpu.dma_semaphore, #tpu.memory_space<semaphore_mem>>) src(%dma_wait3A_142 : memref<125x80xi32, #tpu.memory_space<hbm>>) dst(%arg5 : memref<125x80xi32, #tpu.memory_space<vmem>>)
    %barrier3A = arith.constant 0 : index
    tpu.barrier barrier_id(%barrier3A)
    %dma_wait3A_143 = arith.constant 0 : i32
    %dma_wait3A_144 = tpu.memref_slice %arg2[%mul3A_9, %mul3A_5, %dma_wait3A_143] : memref<4x160000x128xf32, #tpu.memory_space<hbm>> -> memref<1x80x128xf32, #tpu.memory_space<hbm>>
    %dma_wait3A_145 = tpu.memref_squeeze %dma_wait3A_144 : memref<1x80x128xf32, #tpu.memory_space<hbm>> -> memref<80x128xf32, #tpu.memory_space<hbm>>
    %dma_wait3A_146 = arith.constant 0 : i32
    %dma_wait3A_147 = tpu.memref_slice %arg2[%mul3A_9, %mul3A_5, %dma_wait3A_146] : memref<4x160000x128xf32, #tpu.memory_space<hbm>> -> memref<1x80x128xf32, #tpu.memory_space<hbm>>
    %dma_wait3A_148 = tpu.memref_squeeze %dma_wait3A_147 : memref<1x80x128xf32, #tpu.memory_space<hbm>> -> memref<80x128xf32, #tpu.memory_space<hbm>>
    tpu.wait_dma2 semaphore(%arg11 : memref<!tpu.dma_semaphore, #tpu.memory_space<semaphore_mem>>) src(%dma_wait3A_148 : memref<80x128xf32, #tpu.memory_space<hbm>>) dst(%arg6 : memref<80x128xf32, #tpu.memory_space<vmem>>)
    %add3A_149 = arith.constant 160 : i32
    %add3A_150 = arith.addi %mul3A_5, %add3A_149 : i32
    %dma_start3A_151 = arith.constant 0 : i32
    %dma_start3A_152 = tpu.memref_slice %arg2[%mul3A_9, %add3A_150, %dma_start3A_151] : memref<4x160000x128xf32, #tpu.memory_space<hbm>> -> memref<1x80x128xf32, #tpu.memory_space<hbm>>
    %dma_start3A_153 = tpu.memref_squeeze %dma_start3A_152 : memref<1x80x128xf32, #tpu.memory_space<hbm>> -> memref<80x128xf32, #tpu.memory_space<hbm>>
    %dma_start3A_154 = arith.constant 0 : i32
    %dma_start3A_155 = tpu.memref_slice %arg2[%mul3A_9, %add3A_150, %dma_start3A_154] : memref<4x160000x128xf32, #tpu.memory_space<hbm>> -> memref<1x80x128xf32, #tpu.memory_space<hbm>>
    %dma_start3A_156 = tpu.memref_squeeze %dma_start3A_155 : memref<1x80x128xf32, #tpu.memory_space<hbm>> -> memref<80x128xf32, #tpu.memory_space<hbm>>
    tpu.enqueue_dma source(%dma_start3A_156 : memref<80x128xf32, #tpu.memory_space<hbm>>) target(%arg8 : memref<80x128xf32, #tpu.memory_space<vmem>>) target_semaphore(%arg13 : memref<!tpu.dma_semaphore, #tpu.memory_space<semaphore_mem>>)
    %run_scoped3A = arith.constant 0 : i32
    "tpu.region"() ({
      %run_scoped3A_430 = tpu.sem_alloc : memref<!tpu.dma_semaphore, #tpu.memory_space<semaphore_mem>>
      %dma_start3A_431 = arith.constant 0 : i32
      %dma_start3A_432 = tpu.memref_slice %arg5[%run_scoped3A, %dma_start3A_431] : memref<125x80xi32, #tpu.memory_space<vmem>> -> memref<1x80xi32, #tpu.memory_space<vmem>>
      %dma_start3A_433 = tpu.memref_squeeze %dma_start3A_432 : memref<1x80xi32, #tpu.memory_space<vmem>> -> memref<80xi32, #tpu.memory_space<vmem>>
      %dma_start3A_434 = arith.constant 0 : i32
      %dma_start3A_435 = arith.constant 0 : i32
      %dma_start3A_436 = tpu.memref_slice %arg10[%dma_start3A_434, %dma_start3A_435] : memref<10000x128xf32, #tpu.memory_space<vmem_shared>> -> memref<10000x128xf32, #tpu.memory_space<vmem_shared>>
      tpu.enqueue_indirect_dma source(%arg6 : memref<80x128xf32, #tpu.memory_space<vmem>>) target(%dma_start3A_436 : memref<10000x128xf32, #tpu.memory_space<vmem_shared>>) offsets(%dma_start3A_433 : memref<80xi32, #tpu.memory_space<vmem>>) semaphore(%run_scoped3A_430 : memref<!tpu.dma_semaphore, #tpu.memory_space<semaphore_mem>>) {add = true}
      %dma_wait3A_437 = arith.constant 0 : i32
      %dma_wait3A_438 = tpu.memref_slice %arg5[%run_scoped3A, %dma_wait3A_437] : memref<125x80xi32, #tpu.memory_space<vmem>> -> memref<1x80xi32, #tpu.memory_space<vmem>>
      %dma_wait3A_439 = tpu.memref_squeeze %dma_wait3A_438 : memref<1x80xi32, #tpu.memory_space<vmem>> -> memref<80xi32, #tpu.memory_space<vmem>>
      %dma_wait3A_440 = arith.constant 0 : i32
      %dma_wait3A_441 = arith.constant 0 : i32
      %dma_wait3A_442 = tpu.memref_slice %arg10[%dma_wait3A_440, %dma_wait3A_441] : memref<10000x128xf32, #tpu.memory_space<vmem_shared>> -> memref<10000x128xf32, #tpu.memory_space<vmem_shared>>
      tpu.wait_indirect_dma semaphore(%run_scoped3A_430 : memref<!tpu.dma_semaphore, #tpu.memory_space<semaphore_mem>>) src(%arg6 : memref<80x128xf32, #tpu.memory_space<vmem>>) dst(%dma_wait3A_442 : memref<10000x128xf32, #tpu.memory_space<vmem_shared>>)
      tpu.yield
    }) : () -> ()
    %dma_wait3A_157 = arith.constant 0 : i32
    %dma_wait3A_158 = tpu.memref_slice %arg2[%mul3A_9, %mul3A_5, %dma_wait3A_157] : memref<4x160000x128xf32, #tpu.memory_space<hbm>> -> memref<1x80x128xf32, #tpu.memory_space<hbm>>
    %dma_wait3A_159 = tpu.memref_squeeze %dma_wait3A_158 : memref<1x80x128xf32, #tpu.memory_space<hbm>> -> memref<80x128xf32, #tpu.memory_space<hbm>>
    %dma_wait3A_160 = arith.constant 0 : i32
    %dma_wait3A_161 = tpu.memref_slice %arg2[%mul3A_9, %mul3A_5, %dma_wait3A_160] : memref<4x160000x128xf32, #tpu.memory_space<hbm>> -> memref<1x80x128xf32, #tpu.memory_space<hbm>>
    %dma_wait3A_162 = tpu.memref_squeeze %dma_wait3A_161 : memref<1x80x128xf32, #tpu.memory_space<hbm>> -> memref<80x128xf32, #tpu.memory_space<hbm>>
    tpu.wait_dma2 semaphore(%arg12 : memref<!tpu.dma_semaphore, #tpu.memory_space<semaphore_mem>>) src(%dma_wait3A_162 : memref<80x128xf32, #tpu.memory_space<hbm>>) dst(%arg7 : memref<80x128xf32, #tpu.memory_space<vmem>>)
    %add3A_163 = arith.constant 240 : i32
    %add3A_164 = arith.addi %mul3A_5, %add3A_163 : i32
    %dma_start3A_165 = arith.constant 0 : i32
    %dma_start3A_166 = tpu.memref_slice %arg2[%mul3A_9, %add3A_164, %dma_start3A_165] : memref<4x160000x128xf32, #tpu.memory_space<hbm>> -> memref<1x80x128xf32, #tpu.memory_space<hbm>>
    %dma_start3A_167 = tpu.memref_squeeze %dma_start3A_166 : memref<1x80x128xf32, #tpu.memory_space<hbm>> -> memref<80x128xf32, #tpu.memory_space<hbm>>
    %dma_start3A_168 = arith.constant 0 : i32
    %dma_start3A_169 = tpu.memref_slice %arg2[%mul3A_9, %add3A_164, %dma_start3A_168] : memref<4x160000x128xf32, #tpu.memory_space<hbm>> -> memref<1x80x128xf32, #tpu.memory_space<hbm>>
    %dma_start3A_170 = tpu.memref_squeeze %dma_start3A_169 : memref<1x80x128xf32, #tpu.memory_space<hbm>> -> memref<80x128xf32, #tpu.memory_space<hbm>>
    tpu.enqueue_dma source(%dma_start3A_170 : memref<80x128xf32, #tpu.memory_space<hbm>>) target(%arg6 : memref<80x128xf32, #tpu.memory_space<vmem>>) target_semaphore(%arg11 : memref<!tpu.dma_semaphore, #tpu.memory_space<semaphore_mem>>)
    %run_scoped3A_171 = arith.constant 1 : i32
    "tpu.region"() ({
      %run_scoped3A_430 = tpu.sem_alloc : memref<!tpu.dma_semaphore, #tpu.memory_space<semaphore_mem>>
      %dma_start3A_431 = arith.constant 0 : i32
      %dma_start3A_432 = tpu.memref_slice %arg5[%run_scoped3A_171, %dma_start3A_431] : memref<125x80xi32, #tpu.memory_space<vmem>> -> memref<1x80xi32, #tpu.memory_space<vmem>>
      %dma_start3A_433 = tpu.memref_squeeze %dma_start3A_432 : memref<1x80xi32, #tpu.memory_space<vmem>> -> memref<80xi32, #tpu.memory_space<vmem>>
      %dma_start3A_434 = arith.constant 0 : i32
      %dma_start3A_435 = arith.constant 0 : i32
      %dma_start3A_436 = tpu.memref_slice %arg10[%dma_start3A_434, %dma_start3A_435] : memref<10000x128xf32, #tpu.memory_space<vmem_shared>> -> memref<10000x128xf32, #tpu.memory_space<vmem_shared>>
      tpu.enqueue_indirect_dma source(%arg7 : memref<80x128xf32, #tpu.memory_space<vmem>>) target(%dma_start3A_436 : memref<10000x128xf32, #tpu.memory_space<vmem_shared>>) offsets(%dma_start3A_433 : memref<80xi32, #tpu.memory_space<vmem>>) semaphore(%run_scoped3A_430 : memref<!tpu.dma_semaphore, #tpu.memory_space<semaphore_mem>>) {add = true}
      %dma_wait3A_437 = arith.constant 0 : i32
      %dma_wait3A_438 = tpu.memref_slice %arg5[%run_scoped3A_171, %dma_wait3A_437] : memref<125x80xi32, #tpu.memory_space<vmem>> -> memref<1x80xi32, #tpu.memory_space<vmem>>
      %dma_wait3A_439 = tpu.memref_squeeze %dma_wait3A_438 : memref<1x80xi32, #tpu.memory_space<vmem>> -> memref<80xi32, #tpu.memory_space<vmem>>
      %dma_wait3A_440 = arith.constant 0 : i32
      %dma_wait3A_441 = arith.constant 0 : i32
      %dma_wait3A_442 = tpu.memref_slice %arg10[%dma_wait3A_440, %dma_wait3A_441] : memref<10000x128xf32, #tpu.memory_space<vmem_shared>> -> memref<10000x128xf32, #tpu.memory_space<vmem_shared>>
      tpu.wait_indirect_dma semaphore(%run_scoped3A_430 : memref<!tpu.dma_semaphore, #tpu.memory_space<semaphore_mem>>) src(%arg7 : memref<80x128xf32, #tpu.memory_space<vmem>>) dst(%dma_wait3A_442 : memref<10000x128xf32, #tpu.memory_space<vmem_shared>>)
      tpu.yield
    }) : () -> ()
    %scan3A_172 = arith.constant 0 : i32
    %scan3A_173 = arith.constant 0 : i32
    %scan3A_174 = arith.constant 40 : i32
    %scan3A_175 = arith.addi %scan3A_173, %scan3A_174 : i32
    %scan3A_176 = arith.constant 1 : i32
    scf.for %scan3A_430 = %scan3A_173 to %scan3A_175 step %scan3A_176  : i32 {
      %mul3A_431 = arith.constant 3 : i32
      %mul3A_432 = arith.muli %mul3A_431, %scan3A_430 : i32
      %add3A_433 = arith.constant 2 : i32
      %add3A_434 = arith.addi %mul3A_432, %add3A_433 : i32
      %dma_wait3A_435 = arith.constant 0 : i32
      %dma_wait3A_436 = tpu.memref_slice %arg2[%mul3A_9, %mul3A_5, %dma_wait3A_435] : memref<4x160000x128xf32, #tpu.memory_space<hbm>> -> memref<1x80x128xf32, #tpu.memory_space<hbm>>
      %dma_wait3A_437 = tpu.memref_squeeze %dma_wait3A_436 : memref<1x80x128xf32, #tpu.memory_space<hbm>> -> memref<80x128xf32, #tpu.memory_space<hbm>>
      %dma_wait3A_438 = arith.constant 0 : i32
      %dma_wait3A_439 = tpu.memref_slice %arg2[%mul3A_9, %mul3A_5, %dma_wait3A_438] : memref<4x160000x128xf32, #tpu.memory_space<hbm>> -> memref<1x80x128xf32, #tpu.memory_space<hbm>>
      %dma_wait3A_440 = tpu.memref_squeeze %dma_wait3A_439 : memref<1x80x128xf32, #tpu.memory_space<hbm>> -> memref<80x128xf32, #tpu.memory_space<hbm>>
      tpu.wait_dma2 semaphore(%arg13 : memref<!tpu.dma_semaphore, #tpu.memory_space<semaphore_mem>>) src(%dma_wait3A_440 : memref<80x128xf32, #tpu.memory_space<hbm>>) dst(%arg8 : memref<80x128xf32, #tpu.memory_space<vmem>>)
      %add3A_441 = arith.constant 2 : i32
      %add3A_442 = arith.addi %add3A_434, %add3A_441 : i32
      %mul3A_443 = arith.constant 80 : i32
      %mul3A_444 = arith.muli %add3A_442, %mul3A_443 : i32
      %add3A_445 = arith.addi %mul3A_5, %mul3A_444 : i32
      %dma_start3A_446 = arith.constant 0 : i32
      %dma_start3A_447 = tpu.memref_slice %arg2[%mul3A_9, %add3A_445, %dma_start3A_446] : memref<4x160000x128xf32, #tpu.memory_space<hbm>> -> memref<1x80x128xf32, #tpu.memory_space<hbm>>
      %dma_start3A_448 = tpu.memref_squeeze %dma_start3A_447 : memref<1x80x128xf32, #tpu.memory_space<hbm>> -> memref<80x128xf32, #tpu.memory_space<hbm>>
      %dma_start3A_449 = arith.constant 0 : i32
      %dma_start3A_450 = tpu.memref_slice %arg2[%mul3A_9, %add3A_445, %dma_start3A_449] : memref<4x160000x128xf32, #tpu.memory_space<hbm>> -> memref<1x80x128xf32, #tpu.memory_space<hbm>>
      %dma_start3A_451 = tpu.memref_squeeze %dma_start3A_450 : memref<1x80x128xf32, #tpu.memory_space<hbm>> -> memref<80x128xf32, #tpu.memory_space<hbm>>
      tpu.enqueue_dma source(%dma_start3A_451 : memref<80x128xf32, #tpu.memory_space<hbm>>) target(%arg7 : memref<80x128xf32, #tpu.memory_space<vmem>>) target_semaphore(%arg12 : memref<!tpu.dma_semaphore, #tpu.memory_space<semaphore_mem>>)
      "tpu.region"() ({
        %run_scoped3A_490 = tpu.sem_alloc : memref<!tpu.dma_semaphore, #tpu.memory_space<semaphore_mem>>
        %dma_start3A_491 = arith.constant 0 : i32
        %dma_start3A_492 = tpu.memref_slice %arg5[%add3A_434, %dma_start3A_491] : memref<125x80xi32, #tpu.memory_space<vmem>> -> memref<1x80xi32, #tpu.memory_space<vmem>>
        %dma_start3A_493 = tpu.memref_squeeze %dma_start3A_492 : memref<1x80xi32, #tpu.memory_space<vmem>> -> memref<80xi32, #tpu.memory_space<vmem>>
        %dma_start3A_494 = arith.constant 0 : i32
        %dma_start3A_495 = arith.constant 0 : i32
        %dma_start3A_496 = tpu.memref_slice %arg10[%dma_start3A_494, %dma_start3A_495] : memref<10000x128xf32, #tpu.memory_space<vmem_shared>> -> memref<10000x128xf32, #tpu.memory_space<vmem_shared>>
        tpu.enqueue_indirect_dma source(%arg8 : memref<80x128xf32, #tpu.memory_space<vmem>>) target(%dma_start3A_496 : memref<10000x128xf32, #tpu.memory_space<vmem_shared>>) offsets(%dma_start3A_493 : memref<80xi32, #tpu.memory_space<vmem>>) semaphore(%run_scoped3A_490 : memref<!tpu.dma_semaphore, #tpu.memory_space<semaphore_mem>>) {add = true}
        %dma_wait3A_497 = arith.constant 0 : i32
        %dma_wait3A_498 = tpu.memref_slice %arg5[%add3A_434, %dma_wait3A_497] : memref<125x80xi32, #tpu.memory_space<vmem>> -> memref<1x80xi32, #tpu.memory_space<vmem>>
        %dma_wait3A_499 = tpu.memref_squeeze %dma_wait3A_498 : memref<1x80xi32, #tpu.memory_space<vmem>> -> memref<80xi32, #tpu.memory_space<vmem>>
        %dma_wait3A_500 = arith.constant 0 : i32
        %dma_wait3A_501 = arith.constant 0 : i32
        %dma_wait3A_502 = tpu.memref_slice %arg10[%dma_wait3A_500, %dma_wait3A_501] : memref<10000x128xf32, #tpu.memory_space<vmem_shared>> -> memref<10000x128xf32, #tpu.memory_space<vmem_shared>>
        tpu.wait_indirect_dma semaphore(%run_scoped3A_490 : memref<!tpu.dma_semaphore, #tpu.memory_space<semaphore_mem>>) src(%arg8 : memref<80x128xf32, #tpu.memory_space<vmem>>) dst(%dma_wait3A_502 : memref<10000x128xf32, #tpu.memory_space<vmem_shared>>)
        tpu.yield
      }) : () -> ()
      %add3A_452 = arith.constant 1 : i32
      %add3A_453 = arith.addi %add3A_434, %add3A_452 : i32
      %dma_wait3A_454 = arith.constant 0 : i32
      %dma_wait3A_455 = tpu.memref_slice %arg2[%mul3A_9, %mul3A_5, %dma_wait3A_454] : memref<4x160000x128xf32, #tpu.memory_space<hbm>> -> memref<1x80x128xf32, #tpu.memory_space<hbm>>
      %dma_wait3A_456 = tpu.memref_squeeze %dma_wait3A_455 : memref<1x80x128xf32, #tpu.memory_space<hbm>> -> memref<80x128xf32, #tpu.memory_space<hbm>>
      %dma_wait3A_457 = arith.constant 0 : i32
      %dma_wait3A_458 = tpu.memref_slice %arg2[%mul3A_9, %mul3A_5, %dma_wait3A_457] : memref<4x160000x128xf32, #tpu.memory_space<hbm>> -> memref<1x80x128xf32, #tpu.memory_space<hbm>>
      %dma_wait3A_459 = tpu.memref_squeeze %dma_wait3A_458 : memref<1x80x128xf32, #tpu.memory_space<hbm>> -> memref<80x128xf32, #tpu.memory_space<hbm>>
      tpu.wait_dma2 semaphore(%arg11 : memref<!tpu.dma_semaphore, #tpu.memory_space<semaphore_mem>>) src(%dma_wait3A_459 : memref<80x128xf32, #tpu.memory_space<hbm>>) dst(%arg6 : memref<80x128xf32, #tpu.memory_space<vmem>>)
      %add3A_460 = arith.constant 2 : i32
      %add3A_461 = arith.addi %add3A_453, %add3A_460 : i32
      %mul3A_462 = arith.constant 80 : i32
      %mul3A_463 = arith.muli %add3A_461, %mul3A_462 : i32
      %add3A_464 = arith.addi %mul3A_5, %mul3A_463 : i32
      %dma_start3A_465 = arith.constant 0 : i32
      %dma_start3A_466 = tpu.memref_slice %arg2[%mul3A_9, %add3A_464, %dma_start3A_465] : memref<4x160000x128xf32, #tpu.memory_space<hbm>> -> memref<1x80x128xf32, #tpu.memory_space<hbm>>
      %dma_start3A_467 = tpu.memref_squeeze %dma_start3A_466 : memref<1x80x128xf32, #tpu.memory_space<hbm>> -> memref<80x128xf32, #tpu.memory_space<hbm>>
      %dma_start3A_468 = arith.constant 0 : i32
      %dma_start3A_469 = tpu.memref_slice %arg2[%mul3A_9, %add3A_464, %dma_start3A_468] : memref<4x160000x128xf32, #tpu.memory_space<hbm>> -> memref<1x80x128xf32, #tpu.memory_space<hbm>>
      %dma_start3A_470 = tpu.memref_squeeze %dma_start3A_469 : memref<1x80x128xf32, #tpu.memory_space<hbm>> -> memref<80x128xf32, #tpu.memory_space<hbm>>
      tpu.enqueue_dma source(%dma_start3A_470 : memref<80x128xf32, #tpu.memory_space<hbm>>) target(%arg8 : memref<80x128xf32, #tpu.memory_space<vmem>>) target_semaphore(%arg13 : memref<!tpu.dma_semaphore, #tpu.memory_space<semaphore_mem>>)
      "tpu.region"() ({
        %run_scoped3A_490 = tpu.sem_alloc : memref<!tpu.dma_semaphore, #tpu.memory_space<semaphore_mem>>
        %dma_start3A_491 = arith.constant 0 : i32
        %dma_start3A_492 = tpu.memref_slice %arg5[%add3A_453, %dma_start3A_491] : memref<125x80xi32, #tpu.memory_space<vmem>> -> memref<1x80xi32, #tpu.memory_space<vmem>>
        %dma_start3A_493 = tpu.memref_squeeze %dma_start3A_492 : memref<1x80xi32, #tpu.memory_space<vmem>> -> memref<80xi32, #tpu.memory_space<vmem>>
        %dma_start3A_494 = arith.constant 0 : i32
        %dma_start3A_495 = arith.constant 0 : i32
        %dma_start3A_496 = tpu.memref_slice %arg10[%dma_start3A_494, %dma_start3A_495] : memref<10000x128xf32, #tpu.memory_space<vmem_shared>> -> memref<10000x128xf32, #tpu.memory_space<vmem_shared>>
        tpu.enqueue_indirect_dma source(%arg6 : memref<80x128xf32, #tpu.memory_space<vmem>>) target(%dma_start3A_496 : memref<10000x128xf32, #tpu.memory_space<vmem_shared>>) offsets(%dma_start3A_493 : memref<80xi32, #tpu.memory_space<vmem>>) semaphore(%run_scoped3A_490 : memref<!tpu.dma_semaphore, #tpu.memory_space<semaphore_mem>>) {add = true}
        %dma_wait3A_497 = arith.constant 0 : i32
        %dma_wait3A_498 = tpu.memref_slice %arg5[%add3A_453, %dma_wait3A_497] : memref<125x80xi32, #tpu.memory_space<vmem>> -> memref<1x80xi32, #tpu.memory_space<vmem>>
        %dma_wait3A_499 = tpu.memref_squeeze %dma_wait3A_498 : memref<1x80xi32, #tpu.memory_space<vmem>> -> memref<80xi32, #tpu.memory_space<vmem>>
        %dma_wait3A_500 = arith.constant 0 : i32
        %dma_wait3A_501 = arith.constant 0 : i32
        %dma_wait3A_502 = tpu.memref_slice %arg10[%dma_wait3A_500, %dma_wait3A_501] : memref<10000x128xf32, #tpu.memory_space<vmem_shared>> -> memref<10000x128xf32, #tpu.memory_space<vmem_shared>>
        tpu.wait_indirect_dma semaphore(%run_scoped3A_490 : memref<!tpu.dma_semaphore, #tpu.memory_space<semaphore_mem>>) src(%arg6 : memref<80x128xf32, #tpu.memory_space<vmem>>) dst(%dma_wait3A_502 : memref<10000x128xf32, #tpu.memory_space<vmem_shared>>)
        tpu.yield
      }) : () -> ()
      %add3A_471 = arith.constant 2 : i32
      %add3A_472 = arith.addi %add3A_434, %add3A_471 : i32
      %dma_wait3A_473 = arith.constant 0 : i32
      %dma_wait3A_474 = tpu.memref_slice %arg2[%mul3A_9, %mul3A_5, %dma_wait3A_473] : memref<4x160000x128xf32, #tpu.memory_space<hbm>> -> memref<1x80x128xf32, #tpu.memory_space<hbm>>
      %dma_wait3A_475 = tpu.memref_squeeze %dma_wait3A_474 : memref<1x80x128xf32, #tpu.memory_space<hbm>> -> memref<80x128xf32, #tpu.memory_space<hbm>>
      %dma_wait3A_476 = arith.constant 0 : i32
      %dma_wait3A_477 = tpu.memref_slice %arg2[%mul3A_9, %mul3A_5, %dma_wait3A_476] : memref<4x160000x128xf32, #tpu.memory_space<hbm>> -> memref<1x80x128xf32, #tpu.memory_space<hbm>>
      %dma_wait3A_478 = tpu.memref_squeeze %dma_wait3A_477 : memref<1x80x128xf32, #tpu.memory_space<hbm>> -> memref<80x128xf32, #tpu.memory_space<hbm>>
      tpu.wait_dma2 semaphore(%arg12 : memref<!tpu.dma_semaphore, #tpu.memory_space<semaphore_mem>>) src(%dma_wait3A_478 : memref<80x128xf32, #tpu.memory_space<hbm>>) dst(%arg7 : memref<80x128xf32, #tpu.memory_space<vmem>>)
      %add3A_479 = arith.constant 2 : i32
      %add3A_480 = arith.addi %add3A_472, %add3A_479 : i32
      %mul3A_481 = arith.constant 80 : i32
      %mul3A_482 = arith.muli %add3A_480, %mul3A_481 : i32
      %add3A_483 = arith.addi %mul3A_5, %mul3A_482 : i32
      %dma_start3A_484 = arith.constant 0 : i32
      %dma_start3A_485 = tpu.memref_slice %arg2[%mul3A_9, %add3A_483, %dma_start3A_484] : memref<4x160000x128xf32, #tpu.memory_space<hbm>> -> memref<1x80x128xf32, #tpu.memory_space<hbm>>
      %dma_start3A_486 = tpu.memref_squeeze %dma_start3A_485 : memref<1x80x128xf32, #tpu.memory_space<hbm>> -> memref<80x128xf32, #tpu.memory_space<hbm>>
      %dma_start3A_487 = arith.constant 0 : i32
      %dma_start3A_488 = tpu.memref_slice %arg2[%mul3A_9, %add3A_483, %dma_start3A_487] : memref<4x160000x128xf32, #tpu.memory_space<hbm>> -> memref<1x80x128xf32, #tpu.memory_space<hbm>>
      %dma_start3A_489 = tpu.memref_squeeze %dma_start3A_488 : memref<1x80x128xf32, #tpu.memory_space<hbm>> -> memref<80x128xf32, #tpu.memory_space<hbm>>
      tpu.enqueue_dma source(%dma_start3A_489 : memref<80x128xf32, #tpu.memory_space<hbm>>) target(%arg6 : memref<80x128xf32, #tpu.memory_space<vmem>>) target_semaphore(%arg11 : memref<!tpu.dma_semaphore, #tpu.memory_space<semaphore_mem>>)
      "tpu.region"() ({
        %run_scoped3A_490 = tpu.sem_alloc : memref<!tpu.dma_semaphore, #tpu.memory_space<semaphore_mem>>
        %dma_start3A_491 = arith.constant 0 : i32
        %dma_start3A_492 = tpu.memref_slice %arg5[%add3A_472, %dma_start3A_491] : memref<125x80xi32, #tpu.memory_space<vmem>> -> memref<1x80xi32, #tpu.memory_space<vmem>>
        %dma_start3A_493 = tpu.memref_squeeze %dma_start3A_492 : memref<1x80xi32, #tpu.memory_space<vmem>> -> memref<80xi32, #tpu.memory_space<vmem>>
        %dma_start3A_494 = arith.constant 0 : i32
        %dma_start3A_495 = arith.constant 0 : i32
        %dma_start3A_496 = tpu.memref_slice %arg10[%dma_start3A_494, %dma_start3A_495] : memref<10000x128xf32, #tpu.memory_space<vmem_shared>> -> memref<10000x128xf32, #tpu.memory_space<vmem_shared>>
        tpu.enqueue_indirect_dma source(%arg7 : memref<80x128xf32, #tpu.memory_space<vmem>>) target(%dma_start3A_496 : memref<10000x128xf32, #tpu.memory_space<vmem_shared>>) offsets(%dma_start3A_493 : memref<80xi32, #tpu.memory_space<vmem>>) semaphore(%run_scoped3A_490 : memref<!tpu.dma_semaphore, #tpu.memory_space<semaphore_mem>>) {add = true}
        %dma_wait3A_497 = arith.constant 0 : i32
        %dma_wait3A_498 = tpu.memref_slice %arg5[%add3A_472, %dma_wait3A_497] : memref<125x80xi32, #tpu.memory_space<vmem>> -> memref<1x80xi32, #tpu.memory_space<vmem>>
        %dma_wait3A_499 = tpu.memref_squeeze %dma_wait3A_498 : memref<1x80xi32, #tpu.memory_space<vmem>> -> memref<80xi32, #tpu.memory_space<vmem>>
        %dma_wait3A_500 = arith.constant 0 : i32
        %dma_wait3A_501 = arith.constant 0 : i32
        %dma_wait3A_502 = tpu.memref_slice %arg10[%dma_wait3A_500, %dma_wait3A_501] : memref<10000x128xf32, #tpu.memory_space<vmem_shared>> -> memref<10000x128xf32, #tpu.memory_space<vmem_shared>>
        tpu.wait_indirect_dma semaphore(%run_scoped3A_490 : memref<!tpu.dma_semaphore, #tpu.memory_space<semaphore_mem>>) src(%arg7 : memref<80x128xf32, #tpu.memory_space<vmem>>) dst(%dma_wait3A_502 : memref<10000x128xf32, #tpu.memory_space<vmem_shared>>)
        tpu.yield
      }) : () -> ()
    }
    %scan3A_177 = arith.constant 40 : i32
    %dma_wait3A_178 = arith.constant 0 : i32
    %dma_wait3A_179 = tpu.memref_slice %arg2[%mul3A_9, %mul3A_5, %dma_wait3A_178] : memref<4x160000x128xf32, #tpu.memory_space<hbm>> -> memref<1x80x128xf32, #tpu.memory_space<hbm>>
    %dma_wait3A_180 = tpu.memref_squeeze %dma_wait3A_179 : memref<1x80x128xf32, #tpu.memory_space<hbm>> -> memref<80x128xf32, #tpu.memory_space<hbm>>
    %dma_wait3A_181 = arith.constant 0 : i32
    %dma_wait3A_182 = tpu.memref_slice %arg2[%mul3A_9, %mul3A_5, %dma_wait3A_181] : memref<4x160000x128xf32, #tpu.memory_space<hbm>> -> memref<1x80x128xf32, #tpu.memory_space<hbm>>
    %dma_wait3A_183 = tpu.memref_squeeze %dma_wait3A_182 : memref<1x80x128xf32, #tpu.memory_space<hbm>> -> memref<80x128xf32, #tpu.memory_space<hbm>>
    tpu.wait_dma2 semaphore(%arg13 : memref<!tpu.dma_semaphore, #tpu.memory_space<semaphore_mem>>) src(%dma_wait3A_183 : memref<80x128xf32, #tpu.memory_space<hbm>>) dst(%arg8 : memref<80x128xf32, #tpu.memory_space<vmem>>)
    %add3A_184 = arith.constant 9920 : i32
    %add3A_185 = arith.addi %mul3A_5, %add3A_184 : i32
    %dma_start3A_186 = arith.constant 0 : i32
    %dma_start3A_187 = tpu.memref_slice %arg2[%mul3A_9, %add3A_185, %dma_start3A_186] : memref<4x160000x128xf32, #tpu.memory_space<hbm>> -> memref<1x80x128xf32, #tpu.memory_space<hbm>>
    %dma_start3A_188 = tpu.memref_squeeze %dma_start3A_187 : memref<1x80x128xf32, #tpu.memory_space<hbm>> -> memref<80x128xf32, #tpu.memory_space<hbm>>
    %dma_start3A_189 = arith.constant 0 : i32
    %dma_start3A_190 = tpu.memref_slice %arg2[%mul3A_9, %add3A_185, %dma_start3A_189] : memref<4x160000x128xf32, #tpu.memory_space<hbm>> -> memref<1x80x128xf32, #tpu.memory_space<hbm>>
    %dma_start3A_191 = tpu.memref_squeeze %dma_start3A_190 : memref<1x80x128xf32, #tpu.memory_space<hbm>> -> memref<80x128xf32, #tpu.memory_space<hbm>>
    tpu.enqueue_dma source(%dma_start3A_191 : memref<80x128xf32, #tpu.memory_space<hbm>>) target(%arg7 : memref<80x128xf32, #tpu.memory_space<vmem>>) target_semaphore(%arg12 : memref<!tpu.dma_semaphore, #tpu.memory_space<semaphore_mem>>)
    %run_scoped3A_192 = arith.constant 122 : i32
    "tpu.region"() ({
      %run_scoped3A_430 = tpu.sem_alloc : memref<!tpu.dma_semaphore, #tpu.memory_space<semaphore_mem>>
      %dma_start3A_431 = arith.constant 0 : i32
      %dma_start3A_432 = tpu.memref_slice %arg5[%run_scoped3A_192, %dma_start3A_431] : memref<125x80xi32, #tpu.memory_space<vmem>> -> memref<1x80xi32, #tpu.memory_space<vmem>>
      %dma_start3A_433 = tpu.memref_squeeze %dma_start3A_432 : memref<1x80xi32, #tpu.memory_space<vmem>> -> memref<80xi32, #tpu.memory_space<vmem>>
      %dma_start3A_434 = arith.constant 0 : i32
      %dma_start3A_435 = arith.constant 0 : i32
      %dma_start3A_436 = tpu.memref_slice %arg10[%dma_start3A_434, %dma_start3A_435] : memref<10000x128xf32, #tpu.memory_space<vmem_shared>> -> memref<10000x128xf32, #tpu.memory_space<vmem_shared>>
      tpu.enqueue_indirect_dma source(%arg8 : memref<80x128xf32, #tpu.memory_space<vmem>>) target(%dma_start3A_436 : memref<10000x128xf32, #tpu.memory_space<vmem_shared>>) offsets(%dma_start3A_433 : memref<80xi32, #tpu.memory_space<vmem>>) semaphore(%run_scoped3A_430 : memref<!tpu.dma_semaphore, #tpu.memory_space<semaphore_mem>>) {add = true}
      %dma_wait3A_437 = arith.constant 0 : i32
      %dma_wait3A_438 = tpu.memref_slice %arg5[%run_scoped3A_192, %dma_wait3A_437] : memref<125x80xi32, #tpu.memory_space<vmem>> -> memref<1x80xi32, #tpu.memory_space<vmem>>
      %dma_wait3A_439 = tpu.memref_squeeze %dma_wait3A_438 : memref<1x80xi32, #tpu.memory_space<vmem>> -> memref<80xi32, #tpu.memory_space<vmem>>
      %dma_wait3A_440 = arith.constant 0 : i32
      %dma_wait3A_441 = arith.constant 0 : i32
      %dma_wait3A_442 = tpu.memref_slice %arg10[%dma_wait3A_440, %dma_wait3A_441] : memref<10000x128xf32, #tpu.memory_space<vmem_shared>> -> memref<10000x128xf32, #tpu.memory_space<vmem_shared>>
      tpu.wait_indirect_dma semaphore(%run_scoped3A_430 : memref<!tpu.dma_semaphore, #tpu.memory_space<semaphore_mem>>) src(%arg8 : memref<80x128xf32, #tpu.memory_space<vmem>>) dst(%dma_wait3A_442 : memref<10000x128xf32, #tpu.memory_space<vmem_shared>>)
      tpu.yield
    }) : () -> ()
    %dma_wait3A_193 = arith.constant 0 : i32
    %dma_wait3A_194 = tpu.memref_slice %arg2[%mul3A_9, %mul3A_5, %dma_wait3A_193] : memref<4x160000x128xf32, #tpu.memory_space<hbm>> -> memref<1x80x128xf32, #tpu.memory_space<hbm>>
    %dma_wait3A_195 = tpu.memref_squeeze %dma_wait3A_194 : memref<1x80x128xf32, #tpu.memory_space<hbm>> -> memref<80x128xf32, #tpu.memory_space<hbm>>
    %dma_wait3A_196 = arith.constant 0 : i32
    %dma_wait3A_197 = tpu.memref_slice %arg2[%mul3A_9, %mul3A_5, %dma_wait3A_196] : memref<4x160000x128xf32, #tpu.memory_space<hbm>> -> memref<1x80x128xf32, #tpu.memory_space<hbm>>
    %dma_wait3A_198 = tpu.memref_squeeze %dma_wait3A_197 : memref<1x80x128xf32, #tpu.memory_space<hbm>> -> memref<80x128xf32, #tpu.memory_space<hbm>>
    tpu.wait_dma2 semaphore(%arg11 : memref<!tpu.dma_semaphore, #tpu.memory_space<semaphore_mem>>) src(%dma_wait3A_198 : memref<80x128xf32, #tpu.memory_space<hbm>>) dst(%arg6 : memref<80x128xf32, #tpu.memory_space<vmem>>)
    %run_scoped3A_199 = arith.constant 123 : i32
    "tpu.region"() ({
      %run_scoped3A_430 = tpu.sem_alloc : memref<!tpu.dma_semaphore, #tpu.memory_space<semaphore_mem>>
      %dma_start3A_431 = arith.constant 0 : i32
      %dma_start3A_432 = tpu.memref_slice %arg5[%run_scoped3A_199, %dma_start3A_431] : memref<125x80xi32, #tpu.memory_space<vmem>> -> memref<1x80xi32, #tpu.memory_space<vmem>>
      %dma_start3A_433 = tpu.memref_squeeze %dma_start3A_432 : memref<1x80xi32, #tpu.memory_space<vmem>> -> memref<80xi32, #tpu.memory_space<vmem>>
      %dma_start3A_434 = arith.constant 0 : i32
      %dma_start3A_435 = arith.constant 0 : i32
      %dma_start3A_436 = tpu.memref_slice %arg10[%dma_start3A_434, %dma_start3A_435] : memref<10000x128xf32, #tpu.memory_space<vmem_shared>> -> memref<10000x128xf32, #tpu.memory_space<vmem_shared>>
      tpu.enqueue_indirect_dma source(%arg6 : memref<80x128xf32, #tpu.memory_space<vmem>>) target(%dma_start3A_436 : memref<10000x128xf32, #tpu.memory_space<vmem_shared>>) offsets(%dma_start3A_433 : memref<80xi32, #tpu.memory_space<vmem>>) semaphore(%run_scoped3A_430 : memref<!tpu.dma_semaphore, #tpu.memory_space<semaphore_mem>>) {add = true}
      %dma_wait3A_437 = arith.constant 0 : i32
      %dma_wait3A_438 = tpu.memref_slice %arg5[%run_scoped3A_199, %dma_wait3A_437] : memref<125x80xi32, #tpu.memory_space<vmem>> -> memref<1x80xi32, #tpu.memory_space<vmem>>
      %dma_wait3A_439 = tpu.memref_squeeze %dma_wait3A_438 : memref<1x80xi32, #tpu.memory_space<vmem>> -> memref<80xi32, #tpu.memory_space<vmem>>
      %dma_wait3A_440 = arith.constant 0 : i32
      %dma_wait3A_441 = arith.constant 0 : i32
      %dma_wait3A_442 = tpu.memref_slice %arg10[%dma_wait3A_440, %dma_wait3A_441] : memref<10000x128xf32, #tpu.memory_space<vmem_shared>> -> memref<10000x128xf32, #tpu.memory_space<vmem_shared>>
      tpu.wait_indirect_dma semaphore(%run_scoped3A_430 : memref<!tpu.dma_semaphore, #tpu.memory_space<semaphore_mem>>) src(%arg6 : memref<80x128xf32, #tpu.memory_space<vmem>>) dst(%dma_wait3A_442 : memref<10000x128xf32, #tpu.memory_space<vmem_shared>>)
      tpu.yield
    }) : () -> ()
    %dma_wait3A_200 = arith.constant 0 : i32
    %dma_wait3A_201 = tpu.memref_slice %arg2[%mul3A_9, %mul3A_5, %dma_wait3A_200] : memref<4x160000x128xf32, #tpu.memory_space<hbm>> -> memref<1x80x128xf32, #tpu.memory_space<hbm>>
    %dma_wait3A_202 = tpu.memref_squeeze %dma_wait3A_201 : memref<1x80x128xf32, #tpu.memory_space<hbm>> -> memref<80x128xf32, #tpu.memory_space<hbm>>
    %dma_wait3A_203 = arith.constant 0 : i32
    %dma_wait3A_204 = tpu.memref_slice %arg2[%mul3A_9, %mul3A_5, %dma_wait3A_203] : memref<4x160000x128xf32, #tpu.memory_space<hbm>> -> memref<1x80x128xf32, #tpu.memory_space<hbm>>
    %dma_wait3A_205 = tpu.memref_squeeze %dma_wait3A_204 : memref<1x80x128xf32, #tpu.memory_space<hbm>> -> memref<80x128xf32, #tpu.memory_space<hbm>>
    tpu.wait_dma2 semaphore(%arg12 : memref<!tpu.dma_semaphore, #tpu.memory_space<semaphore_mem>>) src(%dma_wait3A_205 : memref<80x128xf32, #tpu.memory_space<hbm>>) dst(%arg7 : memref<80x128xf32, #tpu.memory_space<vmem>>)
    %run_scoped3A_206 = arith.constant 124 : i32
    "tpu.region"() ({
      %run_scoped3A_430 = tpu.sem_alloc : memref<!tpu.dma_semaphore, #tpu.memory_space<semaphore_mem>>
      %dma_start3A_431 = arith.constant 0 : i32
      %dma_start3A_432 = tpu.memref_slice %arg5[%run_scoped3A_206, %dma_start3A_431] : memref<125x80xi32, #tpu.memory_space<vmem>> -> memref<1x80xi32, #tpu.memory_space<vmem>>
      %dma_start3A_433 = tpu.memref_squeeze %dma_start3A_432 : memref<1x80xi32, #tpu.memory_space<vmem>> -> memref<80xi32, #tpu.memory_space<vmem>>
      %dma_start3A_434 = arith.constant 0 : i32
      %dma_start3A_435 = arith.constant 0 : i32
      %dma_start3A_436 = tpu.memref_slice %arg10[%dma_start3A_434, %dma_start3A_435] : memref<10000x128xf32, #tpu.memory_space<vmem_shared>> -> memref<10000x128xf32, #tpu.memory_space<vmem_shared>>
      tpu.enqueue_indirect_dma source(%arg7 : memref<80x128xf32, #tpu.memory_space<vmem>>) target(%dma_start3A_436 : memref<10000x128xf32, #tpu.memory_space<vmem_shared>>) offsets(%dma_start3A_433 : memref<80xi32, #tpu.memory_space<vmem>>) semaphore(%run_scoped3A_430 : memref<!tpu.dma_semaphore, #tpu.memory_space<semaphore_mem>>) {add = true}
      %dma_wait3A_437 = arith.constant 0 : i32
      %dma_wait3A_438 = tpu.memref_slice %arg5[%run_scoped3A_206, %dma_wait3A_437] : memref<125x80xi32, #tpu.memory_space<vmem>> -> memref<1x80xi32, #tpu.memory_space<vmem>>
      %dma_wait3A_439 = tpu.memref_squeeze %dma_wait3A_438 : memref<1x80xi32, #tpu.memory_space<vmem>> -> memref<80xi32, #tpu.memory_space<vmem>>
      %dma_wait3A_440 = arith.constant 0 : i32
      %dma_wait3A_441 = arith.constant 0 : i32
      %dma_wait3A_442 = tpu.memref_slice %arg10[%dma_wait3A_440, %dma_wait3A_441] : memref<10000x128xf32, #tpu.memory_space<vmem_shared>> -> memref<10000x128xf32, #tpu.memory_space<vmem_shared>>
      tpu.wait_indirect_dma semaphore(%run_scoped3A_430 : memref<!tpu.dma_semaphore, #tpu.memory_space<semaphore_mem>>) src(%arg7 : memref<80x128xf32, #tpu.memory_space<vmem>>) dst(%dma_wait3A_442 : memref<10000x128xf32, #tpu.memory_space<vmem_shared>>)
      tpu.yield
    }) : () -> ()
    %run_scoped3A_207 = arith.constant 124 : i32
    "tpu.region"() ({
      %run_scoped3A_430 = tpu.sem_alloc : memref<!tpu.dma_semaphore, #tpu.memory_space<semaphore_mem>>
      %dma_start3A_431 = arith.constant 0 : i32
      %dma_start3A_432 = tpu.memref_slice %arg5[%run_scoped3A_207, %dma_start3A_431] : memref<125x80xi32, #tpu.memory_space<vmem>> -> memref<1x80xi32, #tpu.memory_space<vmem>>
      %dma_start3A_433 = tpu.memref_squeeze %dma_start3A_432 : memref<1x80xi32, #tpu.memory_space<vmem>> -> memref<80xi32, #tpu.memory_space<vmem>>
      %dma_start3A_434 = arith.constant 0 : i32
      %dma_start3A_435 = arith.constant 0 : i32
      %dma_start3A_436 = tpu.memref_slice %arg10[%dma_start3A_434, %dma_start3A_435] : memref<10000x128xf32, #tpu.memory_space<vmem_shared>> -> memref<10000x128xf32, #tpu.memory_space<vmem_shared>>
      tpu.enqueue_indirect_dma source(%arg9 : memref<80x128xf32, #tpu.memory_space<vmem>>) target(%dma_start3A_436 : memref<10000x128xf32, #tpu.memory_space<vmem_shared>>) offsets(%dma_start3A_433 : memref<80xi32, #tpu.memory_space<vmem>>) semaphore(%run_scoped3A_430 : memref<!tpu.dma_semaphore, #tpu.memory_space<semaphore_mem>>) {add = true}
      %dma_wait3A_437 = arith.constant 0 : i32
      %dma_wait3A_438 = tpu.memref_slice %arg5[%run_scoped3A_207, %dma_wait3A_437] : memref<125x80xi32, #tpu.memory_space<vmem>> -> memref<1x80xi32, #tpu.memory_space<vmem>>
      %dma_wait3A_439 = tpu.memref_squeeze %dma_wait3A_438 : memref<1x80xi32, #tpu.memory_space<vmem>> -> memref<80xi32, #tpu.memory_space<vmem>>
      %dma_wait3A_440 = arith.constant 0 : i32
      %dma_wait3A_441 = arith.constant 0 : i32
      %dma_wait3A_442 = tpu.memref_slice %arg10[%dma_wait3A_440, %dma_wait3A_441] : memref<10000x128xf32, #tpu.memory_space<vmem_shared>> -> memref<10000x128xf32, #tpu.memory_space<vmem_shared>>
      tpu.wait_indirect_dma semaphore(%run_scoped3A_430 : memref<!tpu.dma_semaphore, #tpu.memory_space<semaphore_mem>>) src(%arg9 : memref<80x128xf32, #tpu.memory_space<vmem>>) dst(%dma_wait3A_442 : memref<10000x128xf32, #tpu.memory_space<vmem_shared>>)
      tpu.yield
    }) : () -> ()
    %barrier3A_208 = arith.constant 0 : index
    tpu.barrier barrier_id(%barrier3A_208)
    %mul3A_209 = arith.constant 625 : i32
    %mul3A_210 = arith.muli %arg1, %mul3A_209 : i32
    %mul3A_211 = arith.constant 625 : i32
    %mul3A_212 = arith.muli %arg1, %mul3A_211 : i32
    "tpu.region"() ({
      %run_scoped3A_430 = tpu.sem_alloc : memref<!tpu.dma_semaphore, #tpu.memory_space<semaphore_mem>>
      %dma_start3A_431 = arith.constant 0 : i32
      %dma_start3A_432 = tpu.memref_slice %arg4[%mul3A_9, %mul3A_212, %dma_start3A_431] : memref<4x10000x128xf32, #tpu.memory_space<hbm>> -> memref<1x625x128xf32, #tpu.memory_space<hbm>>
      %dma_start3A_433 = tpu.memref_squeeze %dma_start3A_432 : memref<1x625x128xf32, #tpu.memory_space<hbm>> -> memref<625x128xf32, #tpu.memory_space<hbm>>
      %dma_start3A_434 = arith.constant 0 : i32
      %dma_start3A_435 = tpu.memref_slice %arg10[%mul3A_210, %dma_start3A_434] : memref<10000x128xf32, #tpu.memory_space<vmem_shared>> -> memref<625x128xf32, #tpu.memory_space<vmem_shared>>
      tpu.enqueue_dma source(%dma_start3A_435 : memref<625x128xf32, #tpu.memory_space<vmem_shared>>) target(%dma_start3A_433 : memref<625x128xf32, #tpu.memory_space<hbm>>) target_semaphore(%run_scoped3A_430 : memref<!tpu.dma_semaphore, #tpu.memory_space<semaphore_mem>>)
      %dma_wait3A_436 = arith.constant 0 : i32
      %dma_wait3A_437 = tpu.memref_slice %arg4[%mul3A_9, %mul3A_212, %dma_wait3A_436] : memref<4x10000x128xf32, #tpu.memory_space<hbm>> -> memref<1x625x128xf32, #tpu.memory_space<hbm>>
      %dma_wait3A_438 = tpu.memref_squeeze %dma_wait3A_437 : memref<1x625x128xf32, #tpu.memory_space<hbm>> -> memref<625x128xf32, #tpu.memory_space<hbm>>
      %dma_wait3A_439 = arith.constant 0 : i32
      %dma_wait3A_440 = tpu.memref_slice %arg10[%mul3A_210, %dma_wait3A_439] : memref<10000x128xf32, #tpu.memory_space<vmem_shared>> -> memref<625x128xf32, #tpu.memory_space<vmem_shared>>
      tpu.wait_dma2 semaphore(%run_scoped3A_430 : memref<!tpu.dma_semaphore, #tpu.memory_space<semaphore_mem>>) src(%dma_wait3A_440 : memref<625x128xf32, #tpu.memory_space<vmem_shared>>) dst(%dma_wait3A_438 : memref<625x128xf32, #tpu.memory_space<hbm>>)
      tpu.yield
    }) : () -> ()
    %barrier3A_213 = arith.constant 0 : index
    tpu.barrier barrier_id(%barrier3A_213)
    %add3A_214 = arith.constant 1 : i32
    %add3A_215 = arith.addi %mul3A_9, %add3A_214 : i32
    %dma_start3A_216 = arith.constant 0 : i32
    %dma_start3A_217 = tpu.memref_slice %arg3[%add3A_215, %mul3A_7, %dma_start3A_216] : memref<4x2000x80xi32, #tpu.memory_space<hbm>> -> memref<1x125x80xi32, #tpu.memory_space<hbm>>
    %dma_start3A_218 = tpu.memref_squeeze %dma_start3A_217 : memref<1x125x80xi32, #tpu.memory_space<hbm>> -> memref<125x80xi32, #tpu.memory_space<hbm>>
    %dma_start3A_219 = arith.constant 0 : i32
    %dma_start3A_220 = tpu.memref_slice %arg3[%add3A_215, %mul3A_7, %dma_start3A_219] : memref<4x2000x80xi32, #tpu.memory_space<hbm>> -> memref<1x125x80xi32, #tpu.memory_space<hbm>>
    %dma_start3A_221 = tpu.memref_squeeze %dma_start3A_220 : memref<1x125x80xi32, #tpu.memory_space<hbm>> -> memref<125x80xi32, #tpu.memory_space<hbm>>
    tpu.enqueue_dma source(%dma_start3A_221 : memref<125x80xi32, #tpu.memory_space<hbm>>) target(%arg5 : memref<125x80xi32, #tpu.memory_space<vmem>>) target_semaphore(%arg14 : memref<!tpu.dma_semaphore, #tpu.memory_space<semaphore_mem>>)
    %add3A_222 = arith.constant 0 : i32
    %add3A_223 = arith.addi %mul3A_5, %add3A_222 : i32
    %dma_start3A_224 = arith.constant 0 : i32
    %dma_start3A_225 = tpu.memref_slice %arg2[%add3A_215, %add3A_223, %dma_start3A_224] : memref<4x160000x128xf32, #tpu.memory_space<hbm>> -> memref<1x80x128xf32, #tpu.memory_space<hbm>>
    %dma_start3A_226 = tpu.memref_squeeze %dma_start3A_225 : memref<1x80x128xf32, #tpu.memory_space<hbm>> -> memref<80x128xf32, #tpu.memory_space<hbm>>
    %dma_start3A_227 = arith.constant 0 : i32
    %dma_start3A_228 = tpu.memref_slice %arg2[%add3A_215, %add3A_223, %dma_start3A_227] : memref<4x160000x128xf32, #tpu.memory_space<hbm>> -> memref<1x80x128xf32, #tpu.memory_space<hbm>>
    %dma_start3A_229 = tpu.memref_squeeze %dma_start3A_228 : memref<1x80x128xf32, #tpu.memory_space<hbm>> -> memref<80x128xf32, #tpu.memory_space<hbm>>
    tpu.enqueue_dma source(%dma_start3A_229 : memref<80x128xf32, #tpu.memory_space<hbm>>) target(%arg6 : memref<80x128xf32, #tpu.memory_space<vmem>>) target_semaphore(%arg11 : memref<!tpu.dma_semaphore, #tpu.memory_space<semaphore_mem>>)
    %add3A_230 = arith.constant 80 : i32
    %add3A_231 = arith.addi %mul3A_5, %add3A_230 : i32
    %dma_start3A_232 = arith.constant 0 : i32
    %dma_start3A_233 = tpu.memref_slice %arg2[%add3A_215, %add3A_231, %dma_start3A_232] : memref<4x160000x128xf32, #tpu.memory_space<hbm>> -> memref<1x80x128xf32, #tpu.memory_space<hbm>>
    %dma_start3A_234 = tpu.memref_squeeze %dma_start3A_233 : memref<1x80x128xf32, #tpu.memory_space<hbm>> -> memref<80x128xf32, #tpu.memory_space<hbm>>
    %dma_start3A_235 = arith.constant 0 : i32
    %dma_start3A_236 = tpu.memref_slice %arg2[%add3A_215, %add3A_231, %dma_start3A_235] : memref<4x160000x128xf32, #tpu.memory_space<hbm>> -> memref<1x80x128xf32, #tpu.memory_space<hbm>>
    %dma_start3A_237 = tpu.memref_squeeze %dma_start3A_236 : memref<1x80x128xf32, #tpu.memory_space<hbm>> -> memref<80x128xf32, #tpu.memory_space<hbm>>
    tpu.enqueue_dma source(%dma_start3A_237 : memref<80x128xf32, #tpu.memory_space<hbm>>) target(%arg7 : memref<80x128xf32, #tpu.memory_space<vmem>>) target_semaphore(%arg12 : memref<!tpu.dma_semaphore, #tpu.memory_space<semaphore_mem>>)
    %mul3A_238 = arith.constant 625 : i32
    %mul3A_239 = arith.muli %arg1, %mul3A_238 : i32
    %add3A_240 = arith.constant 0 : i32
    %add3A_241 = arith.addi %mul3A_239, %add3A_240 : i32
    %dma_start3A_242 = arith.constant 0 : i32
    %dma_start3A_243 = tpu.memref_slice %arg10[%add3A_241, %dma_start3A_242] : memref<10000x128xf32, #tpu.memory_space<vmem_shared>> -> memref<80x128xf32, #tpu.memory_space<vmem_shared>>
    %dma_start3A_244 = arith.constant 0 : i32
    %dma_start3A_245 = tpu.memref_slice %arg10[%add3A_241, %dma_start3A_244] : memref<10000x128xf32, #tpu.memory_space<vmem_shared>> -> memref<80x128xf32, #tpu.memory_space<vmem_shared>>
    tpu.enqueue_dma source(%arg9 : memref<80x128xf32, #tpu.memory_space<vmem>>) target(%dma_start3A_245 : memref<80x128xf32, #tpu.memory_space<vmem_shared>>) target_semaphore(%arg15 : memref<!tpu.dma_semaphore, #tpu.memory_space<semaphore_mem>>)
    %mul3A_246 = arith.constant 625 : i32
    %mul3A_247 = arith.muli %arg1, %mul3A_246 : i32
    %add3A_248 = arith.constant 80 : i32
    %add3A_249 = arith.addi %mul3A_247, %add3A_248 : i32
    %dma_start3A_250 = arith.constant 0 : i32
    %dma_start3A_251 = tpu.memref_slice %arg10[%add3A_249, %dma_start3A_250] : memref<10000x128xf32, #tpu.memory_space<vmem_shared>> -> memref<80x128xf32, #tpu.memory_space<vmem_shared>>
    %dma_start3A_252 = arith.constant 0 : i32
    %dma_start3A_253 = tpu.memref_slice %arg10[%add3A_249, %dma_start3A_252] : memref<10000x128xf32, #tpu.memory_space<vmem_shared>> -> memref<80x128xf32, #tpu.memory_space<vmem_shared>>
    tpu.enqueue_dma source(%arg9 : memref<80x128xf32, #tpu.memory_space<vmem>>) target(%dma_start3A_253 : memref<80x128xf32, #tpu.memory_space<vmem_shared>>) target_semaphore(%arg15 : memref<!tpu.dma_semaphore, #tpu.memory_space<semaphore_mem>>)
    %mul3A_254 = arith.constant 625 : i32
    %mul3A_255 = arith.muli %arg1, %mul3A_254 : i32
    %add3A_256 = arith.constant 160 : i32
    %add3A_257 = arith.addi %mul3A_255, %add3A_256 : i32
    %dma_start3A_258 = arith.constant 0 : i32
    %dma_start3A_259 = tpu.memref_slice %arg10[%add3A_257, %dma_start3A_258] : memref<10000x128xf32, #tpu.memory_space<vmem_shared>> -> memref<80x128xf32, #tpu.memory_space<vmem_shared>>
    %dma_start3A_260 = arith.constant 0 : i32
    %dma_start3A_261 = tpu.memref_slice %arg10[%add3A_257, %dma_start3A_260] : memref<10000x128xf32, #tpu.memory_space<vmem_shared>> -> memref<80x128xf32, #tpu.memory_space<vmem_shared>>
    tpu.enqueue_dma source(%arg9 : memref<80x128xf32, #tpu.memory_space<vmem>>) target(%dma_start3A_261 : memref<80x128xf32, #tpu.memory_space<vmem_shared>>) target_semaphore(%arg15 : memref<!tpu.dma_semaphore, #tpu.memory_space<semaphore_mem>>)
    %mul3A_262 = arith.constant 625 : i32
    %mul3A_263 = arith.muli %arg1, %mul3A_262 : i32
    %add3A_264 = arith.constant 240 : i32
    %add3A_265 = arith.addi %mul3A_263, %add3A_264 : i32
    %dma_start3A_266 = arith.constant 0 : i32
    %dma_start3A_267 = tpu.memref_slice %arg10[%add3A_265, %dma_start3A_266] : memref<10000x128xf32, #tpu.memory_space<vmem_shared>> -> memref<80x128xf32, #tpu.memory_space<vmem_shared>>
    %dma_start3A_268 = arith.constant 0 : i32
    %dma_start3A_269 = tpu.memref_slice %arg10[%add3A_265, %dma_start3A_268] : memref<10000x128xf32, #tpu.memory_space<vmem_shared>> -> memref<80x128xf32, #tpu.memory_space<vmem_shared>>
    tpu.enqueue_dma source(%arg9 : memref<80x128xf32, #tpu.memory_space<vmem>>) target(%dma_start3A_269 : memref<80x128xf32, #tpu.memory_space<vmem_shared>>) target_semaphore(%arg15 : memref<!tpu.dma_semaphore, #tpu.memory_space<semaphore_mem>>)
    %mul3A_270 = arith.constant 625 : i32
    %mul3A_271 = arith.muli %arg1, %mul3A_270 : i32
    %add3A_272 = arith.constant 320 : i32
    %add3A_273 = arith.addi %mul3A_271, %add3A_272 : i32
    %dma_start3A_274 = arith.constant 0 : i32
    %dma_start3A_275 = tpu.memref_slice %arg10[%add3A_273, %dma_start3A_274] : memref<10000x128xf32, #tpu.memory_space<vmem_shared>> -> memref<80x128xf32, #tpu.memory_space<vmem_shared>>
    %dma_start3A_276 = arith.constant 0 : i32
    %dma_start3A_277 = tpu.memref_slice %arg10[%add3A_273, %dma_start3A_276] : memref<10000x128xf32, #tpu.memory_space<vmem_shared>> -> memref<80x128xf32, #tpu.memory_space<vmem_shared>>
    tpu.enqueue_dma source(%arg9 : memref<80x128xf32, #tpu.memory_space<vmem>>) target(%dma_start3A_277 : memref<80x128xf32, #tpu.memory_space<vmem_shared>>) target_semaphore(%arg15 : memref<!tpu.dma_semaphore, #tpu.memory_space<semaphore_mem>>)
    %mul3A_278 = arith.constant 625 : i32
    %mul3A_279 = arith.muli %arg1, %mul3A_278 : i32
    %add3A_280 = arith.constant 400 : i32
    %add3A_281 = arith.addi %mul3A_279, %add3A_280 : i32
    %dma_start3A_282 = arith.constant 0 : i32
    %dma_start3A_283 = tpu.memref_slice %arg10[%add3A_281, %dma_start3A_282] : memref<10000x128xf32, #tpu.memory_space<vmem_shared>> -> memref<80x128xf32, #tpu.memory_space<vmem_shared>>
    %dma_start3A_284 = arith.constant 0 : i32
    %dma_start3A_285 = tpu.memref_slice %arg10[%add3A_281, %dma_start3A_284] : memref<10000x128xf32, #tpu.memory_space<vmem_shared>> -> memref<80x128xf32, #tpu.memory_space<vmem_shared>>
    tpu.enqueue_dma source(%arg9 : memref<80x128xf32, #tpu.memory_space<vmem>>) target(%dma_start3A_285 : memref<80x128xf32, #tpu.memory_space<vmem_shared>>) target_semaphore(%arg15 : memref<!tpu.dma_semaphore, #tpu.memory_space<semaphore_mem>>)
    %mul3A_286 = arith.constant 625 : i32
    %mul3A_287 = arith.muli %arg1, %mul3A_286 : i32
    %add3A_288 = arith.constant 480 : i32
    %add3A_289 = arith.addi %mul3A_287, %add3A_288 : i32
    %dma_start3A_290 = arith.constant 0 : i32
    %dma_start3A_291 = tpu.memref_slice %arg10[%add3A_289, %dma_start3A_290] : memref<10000x128xf32, #tpu.memory_space<vmem_shared>> -> memref<80x128xf32, #tpu.memory_space<vmem_shared>>
    %dma_start3A_292 = arith.constant 0 : i32
    %dma_start3A_293 = tpu.memref_slice %arg10[%add3A_289, %dma_start3A_292] : memref<10000x128xf32, #tpu.memory_space<vmem_shared>> -> memref<80x128xf32, #tpu.memory_space<vmem_shared>>
    tpu.enqueue_dma source(%arg9 : memref<80x128xf32, #tpu.memory_space<vmem>>) target(%dma_start3A_293 : memref<80x128xf32, #tpu.memory_space<vmem_shared>>) target_semaphore(%arg15 : memref<!tpu.dma_semaphore, #tpu.memory_space<semaphore_mem>>)
    %mul3A_294 = arith.constant 625 : i32
    %mul3A_295 = arith.muli %arg1, %mul3A_294 : i32
    %add3A_296 = arith.constant 560 : i32
    %add3A_297 = arith.addi %mul3A_295, %add3A_296 : i32
    %dma_start3A_298 = arith.constant 0 : i32
    %dma_start3A_299 = arith.constant 0 : i32
    %dma_start3A_300 = tpu.memref_slice %arg9[%dma_start3A_298, %dma_start3A_299] : memref<80x128xf32, #tpu.memory_space<vmem>> -> memref<65x128xf32, #tpu.memory_space<vmem>>
    %dma_start3A_301 = arith.constant 0 : i32
    %dma_start3A_302 = tpu.memref_slice %arg10[%add3A_297, %dma_start3A_301] : memref<10000x128xf32, #tpu.memory_space<vmem_shared>> -> memref<65x128xf32, #tpu.memory_space<vmem_shared>>
    %dma_start3A_303 = arith.constant 0 : i32
    %dma_start3A_304 = tpu.memref_slice %arg10[%add3A_297, %dma_start3A_303] : memref<10000x128xf32, #tpu.memory_space<vmem_shared>> -> memref<65x128xf32, #tpu.memory_space<vmem_shared>>
    %dma_start3A_305 = arith.constant 0 : i32
    %dma_start3A_306 = arith.constant 0 : i32
    %dma_start3A_307 = tpu.memref_slice %arg9[%dma_start3A_305, %dma_start3A_306] : memref<80x128xf32, #tpu.memory_space<vmem>> -> memref<65x128xf32, #tpu.memory_space<vmem>>
    tpu.enqueue_dma source(%dma_start3A_307 : memref<65x128xf32, #tpu.memory_space<vmem>>) target(%dma_start3A_304 : memref<65x128xf32, #tpu.memory_space<vmem_shared>>) target_semaphore(%arg15 : memref<!tpu.dma_semaphore, #tpu.memory_space<semaphore_mem>>)
    %dma_wait3A_308 = arith.constant 0 : i32
    %dma_wait3A_309 = tpu.memref_slice %arg10[%add3A_241, %dma_wait3A_308] : memref<10000x128xf32, #tpu.memory_space<vmem_shared>> -> memref<80x128xf32, #tpu.memory_space<vmem_shared>>
    %dma_wait3A_310 = arith.constant 0 : i32
    %dma_wait3A_311 = tpu.memref_slice %arg10[%add3A_241, %dma_wait3A_310] : memref<10000x128xf32, #tpu.memory_space<vmem_shared>> -> memref<80x128xf32, #tpu.memory_space<vmem_shared>>
    tpu.wait_dma2 semaphore(%arg15 : memref<!tpu.dma_semaphore, #tpu.memory_space<semaphore_mem>>) src(%arg9 : memref<80x128xf32, #tpu.memory_space<vmem>>) dst(%dma_wait3A_311 : memref<80x128xf32, #tpu.memory_space<vmem_shared>>)
    %dma_wait3A_312 = arith.constant 0 : i32
    %dma_wait3A_313 = tpu.memref_slice %arg10[%add3A_249, %dma_wait3A_312] : memref<10000x128xf32, #tpu.memory_space<vmem_shared>> -> memref<80x128xf32, #tpu.memory_space<vmem_shared>>
    %dma_wait3A_314 = arith.constant 0 : i32
    %dma_wait3A_315 = tpu.memref_slice %arg10[%add3A_249, %dma_wait3A_314] : memref<10000x128xf32, #tpu.memory_space<vmem_shared>> -> memref<80x128xf32, #tpu.memory_space<vmem_shared>>
    tpu.wait_dma2 semaphore(%arg15 : memref<!tpu.dma_semaphore, #tpu.memory_space<semaphore_mem>>) src(%arg9 : memref<80x128xf32, #tpu.memory_space<vmem>>) dst(%dma_wait3A_315 : memref<80x128xf32, #tpu.memory_space<vmem_shared>>)
    %dma_wait3A_316 = arith.constant 0 : i32
    %dma_wait3A_317 = tpu.memref_slice %arg10[%add3A_257, %dma_wait3A_316] : memref<10000x128xf32, #tpu.memory_space<vmem_shared>> -> memref<80x128xf32, #tpu.memory_space<vmem_shared>>
    %dma_wait3A_318 = arith.constant 0 : i32
    %dma_wait3A_319 = tpu.memref_slice %arg10[%add3A_257, %dma_wait3A_318] : memref<10000x128xf32, #tpu.memory_space<vmem_shared>> -> memref<80x128xf32, #tpu.memory_space<vmem_shared>>
    tpu.wait_dma2 semaphore(%arg15 : memref<!tpu.dma_semaphore, #tpu.memory_space<semaphore_mem>>) src(%arg9 : memref<80x128xf32, #tpu.memory_space<vmem>>) dst(%dma_wait3A_319 : memref<80x128xf32, #tpu.memory_space<vmem_shared>>)
    %dma_wait3A_320 = arith.constant 0 : i32
    %dma_wait3A_321 = tpu.memref_slice %arg10[%add3A_265, %dma_wait3A_320] : memref<10000x128xf32, #tpu.memory_space<vmem_shared>> -> memref<80x128xf32, #tpu.memory_space<vmem_shared>>
    %dma_wait3A_322 = arith.constant 0 : i32
    %dma_wait3A_323 = tpu.memref_slice %arg10[%add3A_265, %dma_wait3A_322] : memref<10000x128xf32, #tpu.memory_space<vmem_shared>> -> memref<80x128xf32, #tpu.memory_space<vmem_shared>>
    tpu.wait_dma2 semaphore(%arg15 : memref<!tpu.dma_semaphore, #tpu.memory_space<semaphore_mem>>) src(%arg9 : memref<80x128xf32, #tpu.memory_space<vmem>>) dst(%dma_wait3A_323 : memref<80x128xf32, #tpu.memory_space<vmem_shared>>)
    %dma_wait3A_324 = arith.constant 0 : i32
    %dma_wait3A_325 = tpu.memref_slice %arg10[%add3A_273, %dma_wait3A_324] : memref<10000x128xf32, #tpu.memory_space<vmem_shared>> -> memref<80x128xf32, #tpu.memory_space<vmem_shared>>
    %dma_wait3A_326 = arith.constant 0 : i32
    %dma_wait3A_327 = tpu.memref_slice %arg10[%add3A_273, %dma_wait3A_326] : memref<10000x128xf32, #tpu.memory_space<vmem_shared>> -> memref<80x128xf32, #tpu.memory_space<vmem_shared>>
    tpu.wait_dma2 semaphore(%arg15 : memref<!tpu.dma_semaphore, #tpu.memory_space<semaphore_mem>>) src(%arg9 : memref<80x128xf32, #tpu.memory_space<vmem>>) dst(%dma_wait3A_327 : memref<80x128xf32, #tpu.memory_space<vmem_shared>>)
    %dma_wait3A_328 = arith.constant 0 : i32
    %dma_wait3A_329 = tpu.memref_slice %arg10[%add3A_281, %dma_wait3A_328] : memref<10000x128xf32, #tpu.memory_space<vmem_shared>> -> memref<80x128xf32, #tpu.memory_space<vmem_shared>>
    %dma_wait3A_330 = arith.constant 0 : i32
    %dma_wait3A_331 = tpu.memref_slice %arg10[%add3A_281, %dma_wait3A_330] : memref<10000x128xf32, #tpu.memory_space<vmem_shared>> -> memref<80x128xf32, #tpu.memory_space<vmem_shared>>
    tpu.wait_dma2 semaphore(%arg15 : memref<!tpu.dma_semaphore, #tpu.memory_space<semaphore_mem>>) src(%arg9 : memref<80x128xf32, #tpu.memory_space<vmem>>) dst(%dma_wait3A_331 : memref<80x128xf32, #tpu.memory_space<vmem_shared>>)
    %dma_wait3A_332 = arith.constant 0 : i32
    %dma_wait3A_333 = tpu.memref_slice %arg10[%add3A_289, %dma_wait3A_332] : memref<10000x128xf32, #tpu.memory_space<vmem_shared>> -> memref<80x128xf32, #tpu.memory_space<vmem_shared>>
    %dma_wait3A_334 = arith.constant 0 : i32
    %dma_wait3A_335 = tpu.memref_slice %arg10[%add3A_289, %dma_wait3A_334] : memref<10000x128xf32, #tpu.memory_space<vmem_shared>> -> memref<80x128xf32, #tpu.memory_space<vmem_shared>>
    tpu.wait_dma2 semaphore(%arg15 : memref<!tpu.dma_semaphore, #tpu.memory_space<semaphore_mem>>) src(%arg9 : memref<80x128xf32, #tpu.memory_space<vmem>>) dst(%dma_wait3A_335 : memref<80x128xf32, #tpu.memory_space<vmem_shared>>)
    %dma_wait3A_336 = arith.constant 0 : i32
    %dma_wait3A_337 = arith.constant 0 : i32
    %dma_wait3A_338 = tpu.memref_slice %arg9[%dma_wait3A_336, %dma_wait3A_337] : memref<80x128xf32, #tpu.memory_space<vmem>> -> memref<65x128xf32, #tpu.memory_space<vmem>>
    %dma_wait3A_339 = arith.constant 0 : i32
    %dma_wait3A_340 = tpu.memref_slice %arg10[%add3A_297, %dma_wait3A_339] : memref<10000x128xf32, #tpu.memory_space<vmem_shared>> -> memref<65x128xf32, #tpu.memory_space<vmem_shared>>
    %dma_wait3A_341 = arith.constant 0 : i32
    %dma_wait3A_342 = tpu.memref_slice %arg10[%add3A_297, %dma_wait3A_341] : memref<10000x128xf32, #tpu.memory_space<vmem_shared>> -> memref<65x128xf32, #tpu.memory_space<vmem_shared>>
    %dma_wait3A_343 = arith.constant 0 : i32
    %dma_wait3A_344 = arith.constant 0 : i32
    %dma_wait3A_345 = tpu.memref_slice %arg9[%dma_wait3A_343, %dma_wait3A_344] : memref<80x128xf32, #tpu.memory_space<vmem>> -> memref<65x128xf32, #tpu.memory_space<vmem>>
    tpu.wait_dma2 semaphore(%arg15 : memref<!tpu.dma_semaphore, #tpu.memory_space<semaphore_mem>>) src(%dma_wait3A_345 : memref<65x128xf32, #tpu.memory_space<vmem>>) dst(%dma_wait3A_342 : memref<65x128xf32, #tpu.memory_space<vmem_shared>>)
    %add3A_346 = arith.constant 1 : i32
    %add3A_347 = arith.addi %mul3A_9, %add3A_346 : i32
    %dma_wait3A_348 = arith.constant 0 : i32
    %dma_wait3A_349 = tpu.memref_slice %arg3[%add3A_347, %mul3A_7, %dma_wait3A_348] : memref<4x2000x80xi32, #tpu.memory_space<hbm>> -> memref<1x125x80xi32, #tpu.memory_space<hbm>>
    %dma_wait3A_350 = tpu.memref_squeeze %dma_wait3A_349 : memref<1x125x80xi32, #tpu.memory_space<hbm>> -> memref<125x80xi32, #tpu.memory_space<hbm>>
    %dma_wait3A_351 = arith.constant 0 : i32
    %dma_wait3A_352 = tpu.memref_slice %arg3[%add3A_347, %mul3A_7, %dma_wait3A_351] : memref<4x2000x80xi32, #tpu.memory_space<hbm>> -> memref<1x125x80xi32, #tpu.memory_space<hbm>>
    %dma_wait3A_353 = tpu.memref_squeeze %dma_wait3A_352 : memref<1x125x80xi32, #tpu.memory_space<hbm>> -> memref<125x80xi32, #tpu.memory_space<hbm>>
    tpu.wait_dma2 semaphore(%arg14 : memref<!tpu.dma_semaphore, #tpu.memory_space<semaphore_mem>>) src(%dma_wait3A_353 : memref<125x80xi32, #tpu.memory_space<hbm>>) dst(%arg5 : memref<125x80xi32, #tpu.memory_space<vmem>>)
    %barrier3A_354 = arith.constant 0 : index
    tpu.barrier barrier_id(%barrier3A_354)
    %add3A_355 = arith.constant 1 : i32
    %add3A_356 = arith.addi %mul3A_9, %add3A_355 : i32
    %dma_wait3A_357 = arith.constant 0 : i32
    %dma_wait3A_358 = tpu.memref_slice %arg2[%add3A_356, %mul3A_5, %dma_wait3A_357] : memref<4x160000x128xf32, #tpu.memory_space<hbm>> -> memref<1x80x128xf32, #tpu.memory_space<hbm>>
    %dma_wait3A_359 = tpu.memref_squeeze %dma_wait3A_358 : memref<1x80x128xf32, #tpu.memory_space<hbm>> -> memref<80x128xf32, #tpu.memory_space<hbm>>
    %dma_wait3A_360 = arith.constant 0 : i32
    %dma_wait3A_361 = tpu.memref_slice %arg2[%add3A_356, %mul3A_5, %dma_wait3A_360] : memref<4x160000x128xf32, #tpu.memory_space<hbm>> -> memref<1x80x128xf32, #tpu.memory_space<hbm>>
    %dma_wait3A_362 = tpu.memref_squeeze %dma_wait3A_361 : memref<1x80x128xf32, #tpu.memory_space<hbm>> -> memref<80x128xf32, #tpu.memory_space<hbm>>
    tpu.wait_dma2 semaphore(%arg11 : memref<!tpu.dma_semaphore, #tpu.memory_space<semaphore_mem>>) src(%dma_wait3A_362 : memref<80x128xf32, #tpu.memory_space<hbm>>) dst(%arg6 : memref<80x128xf32, #tpu.memory_space<vmem>>)
    %add3A_363 = arith.constant 160 : i32
    %add3A_364 = arith.addi %mul3A_5, %add3A_363 : i32
    %dma_start3A_365 = arith.constant 0 : i32
    %dma_start3A_366 = tpu.memref_slice %arg2[%add3A_356, %add3A_364, %dma_start3A_365] : memref<4x160000x128xf32, #tpu.memory_space<hbm>> -> memref<1x80x128xf32, #tpu.memory_space<hbm>>
    %dma_start3A_367 = tpu.memref_squeeze %dma_start3A_366 : memref<1x80x128xf32, #tpu.memory_space<hbm>> -> memref<80x128xf32, #tpu.memory_space<hbm>>
    %dma_start3A_368 = arith.constant 0 : i32
    %dma_start3A_369 = tpu.memref_slice %arg2[%add3A_356, %add3A_364, %dma_start3A_368] : memref<4x160000x128xf32, #tpu.memory_space<hbm>> -> memref<1x80x128xf32, #tpu.memory_space<hbm>>
    %dma_start3A_370 = tpu.memref_squeeze %dma_start3A_369 : memref<1x80x128xf32, #tpu.memory_space<hbm>> -> memref<80x128xf32, #tpu.memory_space<hbm>>
    tpu.enqueue_dma source(%dma_start3A_370 : memref<80x128xf32, #tpu.memory_space<hbm>>) target(%arg8 : memref<80x128xf32, #tpu.memory_space<vmem>>) target_semaphore(%arg13 : memref<!tpu.dma_semaphore, #tpu.memory_space<semaphore_mem>>)
    %run_scoped3A_371 = arith.constant 0 : i32
    "tpu.region"() ({
      %run_scoped3A_430 = tpu.sem_alloc : memref<!tpu.dma_semaphore, #tpu.memory_space<semaphore_mem>>
      %dma_start3A_431 = arith.constant 0 : i32
      %dma_start3A_432 = tpu.memref_slice %arg5[%run_scoped3A_371, %dma_start3A_431] : memref<125x80xi32, #tpu.memory_space<vmem>> -> memref<1x80xi32, #tpu.memory_space<vmem>>
      %dma_start3A_433 = tpu.memref_squeeze %dma_start3A_432 : memref<1x80xi32, #tpu.memory_space<vmem>> -> memref<80xi32, #tpu.memory_space<vmem>>
      %dma_start3A_434 = arith.constant 0 : i32
      %dma_start3A_435 = arith.constant 0 : i32
      %dma_start3A_436 = tpu.memref_slice %arg10[%dma_start3A_434, %dma_start3A_435] : memref<10000x128xf32, #tpu.memory_space<vmem_shared>> -> memref<10000x128xf32, #tpu.memory_space<vmem_shared>>
      tpu.enqueue_indirect_dma source(%arg6 : memref<80x128xf32, #tpu.memory_space<vmem>>) target(%dma_start3A_436 : memref<10000x128xf32, #tpu.memory_space<vmem_shared>>) offsets(%dma_start3A_433 : memref<80xi32, #tpu.memory_space<vmem>>) semaphore(%run_scoped3A_430 : memref<!tpu.dma_semaphore, #tpu.memory_space<semaphore_mem>>) {add = true}
      %dma_wait3A_437 = arith.constant 0 : i32
      %dma_wait3A_438 = tpu.memref_slice %arg5[%run_scoped3A_371, %dma_wait3A_437] : memref<125x80xi32, #tpu.memory_space<vmem>> -> memref<1x80xi32, #tpu.memory_space<vmem>>
      %dma_wait3A_439 = tpu.memref_squeeze %dma_wait3A_438 : memref<1x80xi32, #tpu.memory_space<vmem>> -> memref<80xi32, #tpu.memory_space<vmem>>
      %dma_wait3A_440 = arith.constant 0 : i32
      %dma_wait3A_441 = arith.constant 0 : i32
      %dma_wait3A_442 = tpu.memref_slice %arg10[%dma_wait3A_440, %dma_wait3A_441] : memref<10000x128xf32, #tpu.memory_space<vmem_shared>> -> memref<10000x128xf32, #tpu.memory_space<vmem_shared>>
      tpu.wait_indirect_dma semaphore(%run_scoped3A_430 : memref<!tpu.dma_semaphore, #tpu.memory_space<semaphore_mem>>) src(%arg6 : memref<80x128xf32, #tpu.memory_space<vmem>>) dst(%dma_wait3A_442 : memref<10000x128xf32, #tpu.memory_space<vmem_shared>>)
      tpu.yield
    }) : () -> ()
    %dma_wait3A_372 = arith.constant 0 : i32
    %dma_wait3A_373 = tpu.memref_slice %arg2[%add3A_356, %mul3A_5, %dma_wait3A_372] : memref<4x160000x128xf32, #tpu.memory_space<hbm>> -> memref<1x80x128xf32, #tpu.memory_space<hbm>>
    %dma_wait3A_374 = tpu.memref_squeeze %dma_wait3A_373 : memref<1x80x128xf32, #tpu.memory_space<hbm>> -> memref<80x128xf32, #tpu.memory_space<hbm>>
    %dma_wait3A_375 = arith.constant 0 : i32
    %dma_wait3A_376 = tpu.memref_slice %arg2[%add3A_356, %mul3A_5, %dma_wait3A_375] : memref<4x160000x128xf32, #tpu.memory_space<hbm>> -> memref<1x80x128xf32, #tpu.memory_space<hbm>>
    %dma_wait3A_377 = tpu.memref_squeeze %dma_wait3A_376 : memref<1x80x128xf32, #tpu.memory_space<hbm>> -> memref<80x128xf32, #tpu.memory_space<hbm>>
    tpu.wait_dma2 semaphore(%arg12 : memref<!tpu.dma_semaphore, #tpu.memory_space<semaphore_mem>>) src(%dma_wait3A_377 : memref<80x128xf32, #tpu.memory_space<hbm>>) dst(%arg7 : memref<80x128xf32, #tpu.memory_space<vmem>>)
    %add3A_378 = arith.constant 240 : i32
    %add3A_379 = arith.addi %mul3A_5, %add3A_378 : i32
    %dma_start3A_380 = arith.constant 0 : i32
    %dma_start3A_381 = tpu.memref_slice %arg2[%add3A_356, %add3A_379, %dma_start3A_380] : memref<4x160000x128xf32, #tpu.memory_space<hbm>> -> memref<1x80x128xf32, #tpu.memory_space<hbm>>
    %dma_start3A_382 = tpu.memref_squeeze %dma_start3A_381 : memref<1x80x128xf32, #tpu.memory_space<hbm>> -> memref<80x128xf32, #tpu.memory_space<hbm>>
    %dma_start3A_383 = arith.constant 0 : i32
    %dma_start3A_384 = tpu.memref_slice %arg2[%add3A_356, %add3A_379, %dma_start3A_383] : memref<4x160000x128xf32, #tpu.memory_space<hbm>> -> memref<1x80x128xf32, #tpu.memory_space<hbm>>
    %dma_start3A_385 = tpu.memref_squeeze %dma_start3A_384 : memref<1x80x128xf32, #tpu.memory_space<hbm>> -> memref<80x128xf32, #tpu.memory_space<hbm>>
    tpu.enqueue_dma source(%dma_start3A_385 : memref<80x128xf32, #tpu.memory_space<hbm>>) target(%arg6 : memref<80x128xf32, #tpu.memory_space<vmem>>) target_semaphore(%arg11 : memref<!tpu.dma_semaphore, #tpu.memory_space<semaphore_mem>>)
    %run_scoped3A_386 = arith.constant 1 : i32
    "tpu.region"() ({
      %run_scoped3A_430 = tpu.sem_alloc : memref<!tpu.dma_semaphore, #tpu.memory_space<semaphore_mem>>
      %dma_start3A_431 = arith.constant 0 : i32
      %dma_start3A_432 = tpu.memref_slice %arg5[%run_scoped3A_386, %dma_start3A_431] : memref<125x80xi32, #tpu.memory_space<vmem>> -> memref<1x80xi32, #tpu.memory_space<vmem>>
      %dma_start3A_433 = tpu.memref_squeeze %dma_start3A_432 : memref<1x80xi32, #tpu.memory_space<vmem>> -> memref<80xi32, #tpu.memory_space<vmem>>
      %dma_start3A_434 = arith.constant 0 : i32
      %dma_start3A_435 = arith.constant 0 : i32
      %dma_start3A_436 = tpu.memref_slice %arg10[%dma_start3A_434, %dma_start3A_435] : memref<10000x128xf32, #tpu.memory_space<vmem_shared>> -> memref<10000x128xf32, #tpu.memory_space<vmem_shared>>
      tpu.enqueue_indirect_dma source(%arg7 : memref<80x128xf32, #tpu.memory_space<vmem>>) target(%dma_start3A_436 : memref<10000x128xf32, #tpu.memory_space<vmem_shared>>) offsets(%dma_start3A_433 : memref<80xi32, #tpu.memory_space<vmem>>) semaphore(%run_scoped3A_430 : memref<!tpu.dma_semaphore, #tpu.memory_space<semaphore_mem>>) {add = true}
      %dma_wait3A_437 = arith.constant 0 : i32
      %dma_wait3A_438 = tpu.memref_slice %arg5[%run_scoped3A_386, %dma_wait3A_437] : memref<125x80xi32, #tpu.memory_space<vmem>> -> memref<1x80xi32, #tpu.memory_space<vmem>>
      %dma_wait3A_439 = tpu.memref_squeeze %dma_wait3A_438 : memref<1x80xi32, #tpu.memory_space<vmem>> -> memref<80xi32, #tpu.memory_space<vmem>>
      %dma_wait3A_440 = arith.constant 0 : i32
      %dma_wait3A_441 = arith.constant 0 : i32
      %dma_wait3A_442 = tpu.memref_slice %arg10[%dma_wait3A_440, %dma_wait3A_441] : memref<10000x128xf32, #tpu.memory_space<vmem_shared>> -> memref<10000x128xf32, #tpu.memory_space<vmem_shared>>
      tpu.wait_indirect_dma semaphore(%run_scoped3A_430 : memref<!tpu.dma_semaphore, #tpu.memory_space<semaphore_mem>>) src(%arg7 : memref<80x128xf32, #tpu.memory_space<vmem>>) dst(%dma_wait3A_442 : memref<10000x128xf32, #tpu.memory_space<vmem_shared>>)
      tpu.yield
    }) : () -> ()
    %scan3A_387 = arith.constant 0 : i32
    %scan3A_388 = arith.constant 0 : i32
    %scan3A_389 = arith.constant 40 : i32
    %scan3A_390 = arith.addi %scan3A_388, %scan3A_389 : i32
    %scan3A_391 = arith.constant 1 : i32
    scf.for %scan3A_430 = %scan3A_388 to %scan3A_390 step %scan3A_391  : i32 {
      %mul3A_431 = arith.constant 3 : i32
      %mul3A_432 = arith.muli %mul3A_431, %scan3A_430 : i32
      %add3A_433 = arith.constant 2 : i32
      %add3A_434 = arith.addi %mul3A_432, %add3A_433 : i32
      %dma_wait3A_435 = arith.constant 0 : i32
      %dma_wait3A_436 = tpu.memref_slice %arg2[%add3A_356, %mul3A_5, %dma_wait3A_435] : memref<4x160000x128xf32, #tpu.memory_space<hbm>> -> memref<1x80x128xf32, #tpu.memory_space<hbm>>
      %dma_wait3A_437 = tpu.memref_squeeze %dma_wait3A_436 : memref<1x80x128xf32, #tpu.memory_space<hbm>> -> memref<80x128xf32, #tpu.memory_space<hbm>>
      %dma_wait3A_438 = arith.constant 0 : i32
      %dma_wait3A_439 = tpu.memref_slice %arg2[%add3A_356, %mul3A_5, %dma_wait3A_438] : memref<4x160000x128xf32, #tpu.memory_space<hbm>> -> memref<1x80x128xf32, #tpu.memory_space<hbm>>
      %dma_wait3A_440 = tpu.memref_squeeze %dma_wait3A_439 : memref<1x80x128xf32, #tpu.memory_space<hbm>> -> memref<80x128xf32, #tpu.memory_space<hbm>>
      tpu.wait_dma2 semaphore(%arg13 : memref<!tpu.dma_semaphore, #tpu.memory_space<semaphore_mem>>) src(%dma_wait3A_440 : memref<80x128xf32, #tpu.memory_space<hbm>>) dst(%arg8 : memref<80x128xf32, #tpu.memory_space<vmem>>)
      %add3A_441 = arith.constant 2 : i32
      %add3A_442 = arith.addi %add3A_434, %add3A_441 : i32
      %mul3A_443 = arith.constant 80 : i32
      %mul3A_444 = arith.muli %add3A_442, %mul3A_443 : i32
      %add3A_445 = arith.addi %mul3A_5, %mul3A_444 : i32
      %dma_start3A_446 = arith.constant 0 : i32
      %dma_start3A_447 = tpu.memref_slice %arg2[%add3A_356, %add3A_445, %dma_start3A_446] : memref<4x160000x128xf32, #tpu.memory_space<hbm>> -> memref<1x80x128xf32, #tpu.memory_space<hbm>>
      %dma_start3A_448 = tpu.memref_squeeze %dma_start3A_447 : memref<1x80x128xf32, #tpu.memory_space<hbm>> -> memref<80x128xf32, #tpu.memory_space<hbm>>
      %dma_start3A_449 = arith.constant 0 : i32
      %dma_start3A_450 = tpu.memref_slice %arg2[%add3A_356, %add3A_445, %dma_start3A_449] : memref<4x160000x128xf32, #tpu.memory_space<hbm>> -> memref<1x80x128xf32, #tpu.memory_space<hbm>>
      %dma_start3A_451 = tpu.memref_squeeze %dma_start3A_450 : memref<1x80x128xf32, #tpu.memory_space<hbm>> -> memref<80x128xf32, #tpu.memory_space<hbm>>
      tpu.enqueue_dma source(%dma_start3A_451 : memref<80x128xf32, #tpu.memory_space<hbm>>) target(%arg7 : memref<80x128xf32, #tpu.memory_space<vmem>>) target_semaphore(%arg12 : memref<!tpu.dma_semaphore, #tpu.memory_space<semaphore_mem>>)
      "tpu.region"() ({
        %run_scoped3A_490 = tpu.sem_alloc : memref<!tpu.dma_semaphore, #tpu.memory_space<semaphore_mem>>
        %dma_start3A_491 = arith.constant 0 : i32
        %dma_start3A_492 = tpu.memref_slice %arg5[%add3A_434, %dma_start3A_491] : memref<125x80xi32, #tpu.memory_space<vmem>> -> memref<1x80xi32, #tpu.memory_space<vmem>>
        %dma_start3A_493 = tpu.memref_squeeze %dma_start3A_492 : memref<1x80xi32, #tpu.memory_space<vmem>> -> memref<80xi32, #tpu.memory_space<vmem>>
        %dma_start3A_494 = arith.constant 0 : i32
        %dma_start3A_495 = arith.constant 0 : i32
        %dma_start3A_496 = tpu.memref_slice %arg10[%dma_start3A_494, %dma_start3A_495] : memref<10000x128xf32, #tpu.memory_space<vmem_shared>> -> memref<10000x128xf32, #tpu.memory_space<vmem_shared>>
        tpu.enqueue_indirect_dma source(%arg8 : memref<80x128xf32, #tpu.memory_space<vmem>>) target(%dma_start3A_496 : memref<10000x128xf32, #tpu.memory_space<vmem_shared>>) offsets(%dma_start3A_493 : memref<80xi32, #tpu.memory_space<vmem>>) semaphore(%run_scoped3A_490 : memref<!tpu.dma_semaphore, #tpu.memory_space<semaphore_mem>>) {add = true}
        %dma_wait3A_497 = arith.constant 0 : i32
        %dma_wait3A_498 = tpu.memref_slice %arg5[%add3A_434, %dma_wait3A_497] : memref<125x80xi32, #tpu.memory_space<vmem>> -> memref<1x80xi32, #tpu.memory_space<vmem>>
        %dma_wait3A_499 = tpu.memref_squeeze %dma_wait3A_498 : memref<1x80xi32, #tpu.memory_space<vmem>> -> memref<80xi32, #tpu.memory_space<vmem>>
        %dma_wait3A_500 = arith.constant 0 : i32
        %dma_wait3A_501 = arith.constant 0 : i32
        %dma_wait3A_502 = tpu.memref_slice %arg10[%dma_wait3A_500, %dma_wait3A_501] : memref<10000x128xf32, #tpu.memory_space<vmem_shared>> -> memref<10000x128xf32, #tpu.memory_space<vmem_shared>>
        tpu.wait_indirect_dma semaphore(%run_scoped3A_490 : memref<!tpu.dma_semaphore, #tpu.memory_space<semaphore_mem>>) src(%arg8 : memref<80x128xf32, #tpu.memory_space<vmem>>) dst(%dma_wait3A_502 : memref<10000x128xf32, #tpu.memory_space<vmem_shared>>)
        tpu.yield
      }) : () -> ()
      %add3A_452 = arith.constant 1 : i32
      %add3A_453 = arith.addi %add3A_434, %add3A_452 : i32
      %dma_wait3A_454 = arith.constant 0 : i32
      %dma_wait3A_455 = tpu.memref_slice %arg2[%add3A_356, %mul3A_5, %dma_wait3A_454] : memref<4x160000x128xf32, #tpu.memory_space<hbm>> -> memref<1x80x128xf32, #tpu.memory_space<hbm>>
      %dma_wait3A_456 = tpu.memref_squeeze %dma_wait3A_455 : memref<1x80x128xf32, #tpu.memory_space<hbm>> -> memref<80x128xf32, #tpu.memory_space<hbm>>
      %dma_wait3A_457 = arith.constant 0 : i32
      %dma_wait3A_458 = tpu.memref_slice %arg2[%add3A_356, %mul3A_5, %dma_wait3A_457] : memref<4x160000x128xf32, #tpu.memory_space<hbm>> -> memref<1x80x128xf32, #tpu.memory_space<hbm>>
      %dma_wait3A_459 = tpu.memref_squeeze %dma_wait3A_458 : memref<1x80x128xf32, #tpu.memory_space<hbm>> -> memref<80x128xf32, #tpu.memory_space<hbm>>
      tpu.wait_dma2 semaphore(%arg11 : memref<!tpu.dma_semaphore, #tpu.memory_space<semaphore_mem>>) src(%dma_wait3A_459 : memref<80x128xf32, #tpu.memory_space<hbm>>) dst(%arg6 : memref<80x128xf32, #tpu.memory_space<vmem>>)
      %add3A_460 = arith.constant 2 : i32
      %add3A_461 = arith.addi %add3A_453, %add3A_460 : i32
      %mul3A_462 = arith.constant 80 : i32
      %mul3A_463 = arith.muli %add3A_461, %mul3A_462 : i32
      %add3A_464 = arith.addi %mul3A_5, %mul3A_463 : i32
      %dma_start3A_465 = arith.constant 0 : i32
      %dma_start3A_466 = tpu.memref_slice %arg2[%add3A_356, %add3A_464, %dma_start3A_465] : memref<4x160000x128xf32, #tpu.memory_space<hbm>> -> memref<1x80x128xf32, #tpu.memory_space<hbm>>
      %dma_start3A_467 = tpu.memref_squeeze %dma_start3A_466 : memref<1x80x128xf32, #tpu.memory_space<hbm>> -> memref<80x128xf32, #tpu.memory_space<hbm>>
      %dma_start3A_468 = arith.constant 0 : i32
      %dma_start3A_469 = tpu.memref_slice %arg2[%add3A_356, %add3A_464, %dma_start3A_468] : memref<4x160000x128xf32, #tpu.memory_space<hbm>> -> memref<1x80x128xf32, #tpu.memory_space<hbm>>
      %dma_start3A_470 = tpu.memref_squeeze %dma_start3A_469 : memref<1x80x128xf32, #tpu.memory_space<hbm>> -> memref<80x128xf32, #tpu.memory_space<hbm>>
      tpu.enqueue_dma source(%dma_start3A_470 : memref<80x128xf32, #tpu.memory_space<hbm>>) target(%arg8 : memref<80x128xf32, #tpu.memory_space<vmem>>) target_semaphore(%arg13 : memref<!tpu.dma_semaphore, #tpu.memory_space<semaphore_mem>>)
      "tpu.region"() ({
        %run_scoped3A_490 = tpu.sem_alloc : memref<!tpu.dma_semaphore, #tpu.memory_space<semaphore_mem>>
        %dma_start3A_491 = arith.constant 0 : i32
        %dma_start3A_492 = tpu.memref_slice %arg5[%add3A_453, %dma_start3A_491] : memref<125x80xi32, #tpu.memory_space<vmem>> -> memref<1x80xi32, #tpu.memory_space<vmem>>
        %dma_start3A_493 = tpu.memref_squeeze %dma_start3A_492 : memref<1x80xi32, #tpu.memory_space<vmem>> -> memref<80xi32, #tpu.memory_space<vmem>>
        %dma_start3A_494 = arith.constant 0 : i32
        %dma_start3A_495 = arith.constant 0 : i32
        %dma_start3A_496 = tpu.memref_slice %arg10[%dma_start3A_494, %dma_start3A_495] : memref<10000x128xf32, #tpu.memory_space<vmem_shared>> -> memref<10000x128xf32, #tpu.memory_space<vmem_shared>>
        tpu.enqueue_indirect_dma source(%arg6 : memref<80x128xf32, #tpu.memory_space<vmem>>) target(%dma_start3A_496 : memref<10000x128xf32, #tpu.memory_space<vmem_shared>>) offsets(%dma_start3A_493 : memref<80xi32, #tpu.memory_space<vmem>>) semaphore(%run_scoped3A_490 : memref<!tpu.dma_semaphore, #tpu.memory_space<semaphore_mem>>) {add = true}
        %dma_wait3A_497 = arith.constant 0 : i32
        %dma_wait3A_498 = tpu.memref_slice %arg5[%add3A_453, %dma_wait3A_497] : memref<125x80xi32, #tpu.memory_space<vmem>> -> memref<1x80xi32, #tpu.memory_space<vmem>>
        %dma_wait3A_499 = tpu.memref_squeeze %dma_wait3A_498 : memref<1x80xi32, #tpu.memory_space<vmem>> -> memref<80xi32, #tpu.memory_space<vmem>>
        %dma_wait3A_500 = arith.constant 0 : i32
        %dma_wait3A_501 = arith.constant 0 : i32
        %dma_wait3A_502 = tpu.memref_slice %arg10[%dma_wait3A_500, %dma_wait3A_501] : memref<10000x128xf32, #tpu.memory_space<vmem_shared>> -> memref<10000x128xf32, #tpu.memory_space<vmem_shared>>
        tpu.wait_indirect_dma semaphore(%run_scoped3A_490 : memref<!tpu.dma_semaphore, #tpu.memory_space<semaphore_mem>>) src(%arg6 : memref<80x128xf32, #tpu.memory_space<vmem>>) dst(%dma_wait3A_502 : memref<10000x128xf32, #tpu.memory_space<vmem_shared>>)
        tpu.yield
      }) : () -> ()
      %add3A_471 = arith.constant 2 : i32
      %add3A_472 = arith.addi %add3A_434, %add3A_471 : i32
      %dma_wait3A_473 = arith.constant 0 : i32
      %dma_wait3A_474 = tpu.memref_slice %arg2[%add3A_356, %mul3A_5, %dma_wait3A_473] : memref<4x160000x128xf32, #tpu.memory_space<hbm>> -> memref<1x80x128xf32, #tpu.memory_space<hbm>>
      %dma_wait3A_475 = tpu.memref_squeeze %dma_wait3A_474 : memref<1x80x128xf32, #tpu.memory_space<hbm>> -> memref<80x128xf32, #tpu.memory_space<hbm>>
      %dma_wait3A_476 = arith.constant 0 : i32
      %dma_wait3A_477 = tpu.memref_slice %arg2[%add3A_356, %mul3A_5, %dma_wait3A_476] : memref<4x160000x128xf32, #tpu.memory_space<hbm>> -> memref<1x80x128xf32, #tpu.memory_space<hbm>>
      %dma_wait3A_478 = tpu.memref_squeeze %dma_wait3A_477 : memref<1x80x128xf32, #tpu.memory_space<hbm>> -> memref<80x128xf32, #tpu.memory_space<hbm>>
      tpu.wait_dma2 semaphore(%arg12 : memref<!tpu.dma_semaphore, #tpu.memory_space<semaphore_mem>>) src(%dma_wait3A_478 : memref<80x128xf32, #tpu.memory_space<hbm>>) dst(%arg7 : memref<80x128xf32, #tpu.memory_space<vmem>>)
      %add3A_479 = arith.constant 2 : i32
      %add3A_480 = arith.addi %add3A_472, %add3A_479 : i32
      %mul3A_481 = arith.constant 80 : i32
      %mul3A_482 = arith.muli %add3A_480, %mul3A_481 : i32
      %add3A_483 = arith.addi %mul3A_5, %mul3A_482 : i32
      %dma_start3A_484 = arith.constant 0 : i32
      %dma_start3A_485 = tpu.memref_slice %arg2[%add3A_356, %add3A_483, %dma_start3A_484] : memref<4x160000x128xf32, #tpu.memory_space<hbm>> -> memref<1x80x128xf32, #tpu.memory_space<hbm>>
      %dma_start3A_486 = tpu.memref_squeeze %dma_start3A_485 : memref<1x80x128xf32, #tpu.memory_space<hbm>> -> memref<80x128xf32, #tpu.memory_space<hbm>>
      %dma_start3A_487 = arith.constant 0 : i32
      %dma_start3A_488 = tpu.memref_slice %arg2[%add3A_356, %add3A_483, %dma_start3A_487] : memref<4x160000x128xf32, #tpu.memory_space<hbm>> -> memref<1x80x128xf32, #tpu.memory_space<hbm>>
      %dma_start3A_489 = tpu.memref_squeeze %dma_start3A_488 : memref<1x80x128xf32, #tpu.memory_space<hbm>> -> memref<80x128xf32, #tpu.memory_space<hbm>>
      tpu.enqueue_dma source(%dma_start3A_489 : memref<80x128xf32, #tpu.memory_space<hbm>>) target(%arg6 : memref<80x128xf32, #tpu.memory_space<vmem>>) target_semaphore(%arg11 : memref<!tpu.dma_semaphore, #tpu.memory_space<semaphore_mem>>)
      "tpu.region"() ({
        %run_scoped3A_490 = tpu.sem_alloc : memref<!tpu.dma_semaphore, #tpu.memory_space<semaphore_mem>>
        %dma_start3A_491 = arith.constant 0 : i32
        %dma_start3A_492 = tpu.memref_slice %arg5[%add3A_472, %dma_start3A_491] : memref<125x80xi32, #tpu.memory_space<vmem>> -> memref<1x80xi32, #tpu.memory_space<vmem>>
        %dma_start3A_493 = tpu.memref_squeeze %dma_start3A_492 : memref<1x80xi32, #tpu.memory_space<vmem>> -> memref<80xi32, #tpu.memory_space<vmem>>
        %dma_start3A_494 = arith.constant 0 : i32
        %dma_start3A_495 = arith.constant 0 : i32
        %dma_start3A_496 = tpu.memref_slice %arg10[%dma_start3A_494, %dma_start3A_495] : memref<10000x128xf32, #tpu.memory_space<vmem_shared>> -> memref<10000x128xf32, #tpu.memory_space<vmem_shared>>
        tpu.enqueue_indirect_dma source(%arg7 : memref<80x128xf32, #tpu.memory_space<vmem>>) target(%dma_start3A_496 : memref<10000x128xf32, #tpu.memory_space<vmem_shared>>) offsets(%dma_start3A_493 : memref<80xi32, #tpu.memory_space<vmem>>) semaphore(%run_scoped3A_490 : memref<!tpu.dma_semaphore, #tpu.memory_space<semaphore_mem>>) {add = true}
        %dma_wait3A_497 = arith.constant 0 : i32
        %dma_wait3A_498 = tpu.memref_slice %arg5[%add3A_472, %dma_wait3A_497] : memref<125x80xi32, #tpu.memory_space<vmem>> -> memref<1x80xi32, #tpu.memory_space<vmem>>
        %dma_wait3A_499 = tpu.memref_squeeze %dma_wait3A_498 : memref<1x80xi32, #tpu.memory_space<vmem>> -> memref<80xi32, #tpu.memory_space<vmem>>
        %dma_wait3A_500 = arith.constant 0 : i32
        %dma_wait3A_501 = arith.constant 0 : i32
        %dma_wait3A_502 = tpu.memref_slice %arg10[%dma_wait3A_500, %dma_wait3A_501] : memref<10000x128xf32, #tpu.memory_space<vmem_shared>> -> memref<10000x128xf32, #tpu.memory_space<vmem_shared>>
        tpu.wait_indirect_dma semaphore(%run_scoped3A_490 : memref<!tpu.dma_semaphore, #tpu.memory_space<semaphore_mem>>) src(%arg7 : memref<80x128xf32, #tpu.memory_space<vmem>>) dst(%dma_wait3A_502 : memref<10000x128xf32, #tpu.memory_space<vmem_shared>>)
        tpu.yield
      }) : () -> ()
    }
    %scan3A_392 = arith.constant 40 : i32
    %dma_wait3A_393 = arith.constant 0 : i32
    %dma_wait3A_394 = tpu.memref_slice %arg2[%add3A_356, %mul3A_5, %dma_wait3A_393] : memref<4x160000x128xf32, #tpu.memory_space<hbm>> -> memref<1x80x128xf32, #tpu.memory_space<hbm>>
    %dma_wait3A_395 = tpu.memref_squeeze %dma_wait3A_394 : memref<1x80x128xf32, #tpu.memory_space<hbm>> -> memref<80x128xf32, #tpu.memory_space<hbm>>
    %dma_wait3A_396 = arith.constant 0 : i32
    %dma_wait3A_397 = tpu.memref_slice %arg2[%add3A_356, %mul3A_5, %dma_wait3A_396] : memref<4x160000x128xf32, #tpu.memory_space<hbm>> -> memref<1x80x128xf32, #tpu.memory_space<hbm>>
    %dma_wait3A_398 = tpu.memref_squeeze %dma_wait3A_397 : memref<1x80x128xf32, #tpu.memory_space<hbm>> -> memref<80x128xf32, #tpu.memory_space<hbm>>
    tpu.wait_dma2 semaphore(%arg13 : memref<!tpu.dma_semaphore, #tpu.memory_space<semaphore_mem>>) src(%dma_wait3A_398 : memref<80x128xf32, #tpu.memory_space<hbm>>) dst(%arg8 : memref<80x128xf32, #tpu.memory_space<vmem>>)
    %add3A_399 = arith.constant 9920 : i32
    %add3A_400 = arith.addi %mul3A_5, %add3A_399 : i32
    %dma_start3A_401 = arith.constant 0 : i32
    %dma_start3A_402 = tpu.memref_slice %arg2[%add3A_356, %add3A_400, %dma_start3A_401] : memref<4x160000x128xf32, #tpu.memory_space<hbm>> -> memref<1x80x128xf32, #tpu.memory_space<hbm>>
    %dma_start3A_403 = tpu.memref_squeeze %dma_start3A_402 : memref<1x80x128xf32, #tpu.memory_space<hbm>> -> memref<80x128xf32, #tpu.memory_space<hbm>>
    %dma_start3A_404 = arith.constant 0 : i32
    %dma_start3A_405 = tpu.memref_slice %arg2[%add3A_356, %add3A_400, %dma_start3A_404] : memref<4x160000x128xf32, #tpu.memory_space<hbm>> -> memref<1x80x128xf32, #tpu.memory_space<hbm>>
    %dma_start3A_406 = tpu.memref_squeeze %dma_start3A_405 : memref<1x80x128xf32, #tpu.memory_space<hbm>> -> memref<80x128xf32, #tpu.memory_space<hbm>>
    tpu.enqueue_dma source(%dma_start3A_406 : memref<80x128xf32, #tpu.memory_space<hbm>>) target(%arg7 : memref<80x128xf32, #tpu.memory_space<vmem>>) target_semaphore(%arg12 : memref<!tpu.dma_semaphore, #tpu.memory_space<semaphore_mem>>)
    %run_scoped3A_407 = arith.constant 122 : i32
    "tpu.region"() ({
      %run_scoped3A_430 = tpu.sem_alloc : memref<!tpu.dma_semaphore, #tpu.memory_space<semaphore_mem>>
      %dma_start3A_431 = arith.constant 0 : i32
      %dma_start3A_432 = tpu.memref_slice %arg5[%run_scoped3A_407, %dma_start3A_431] : memref<125x80xi32, #tpu.memory_space<vmem>> -> memref<1x80xi32, #tpu.memory_space<vmem>>
      %dma_start3A_433 = tpu.memref_squeeze %dma_start3A_432 : memref<1x80xi32, #tpu.memory_space<vmem>> -> memref<80xi32, #tpu.memory_space<vmem>>
      %dma_start3A_434 = arith.constant 0 : i32
      %dma_start3A_435 = arith.constant 0 : i32
      %dma_start3A_436 = tpu.memref_slice %arg10[%dma_start3A_434, %dma_start3A_435] : memref<10000x128xf32, #tpu.memory_space<vmem_shared>> -> memref<10000x128xf32, #tpu.memory_space<vmem_shared>>
      tpu.enqueue_indirect_dma source(%arg8 : memref<80x128xf32, #tpu.memory_space<vmem>>) target(%dma_start3A_436 : memref<10000x128xf32, #tpu.memory_space<vmem_shared>>) offsets(%dma_start3A_433 : memref<80xi32, #tpu.memory_space<vmem>>) semaphore(%run_scoped3A_430 : memref<!tpu.dma_semaphore, #tpu.memory_space<semaphore_mem>>) {add = true}
      %dma_wait3A_437 = arith.constant 0 : i32
      %dma_wait3A_438 = tpu.memref_slice %arg5[%run_scoped3A_407, %dma_wait3A_437] : memref<125x80xi32, #tpu.memory_space<vmem>> -> memref<1x80xi32, #tpu.memory_space<vmem>>
      %dma_wait3A_439 = tpu.memref_squeeze %dma_wait3A_438 : memref<1x80xi32, #tpu.memory_space<vmem>> -> memref<80xi32, #tpu.memory_space<vmem>>
      %dma_wait3A_440 = arith.constant 0 : i32
      %dma_wait3A_441 = arith.constant 0 : i32
      %dma_wait3A_442 = tpu.memref_slice %arg10[%dma_wait3A_440, %dma_wait3A_441] : memref<10000x128xf32, #tpu.memory_space<vmem_shared>> -> memref<10000x128xf32, #tpu.memory_space<vmem_shared>>
      tpu.wait_indirect_dma semaphore(%run_scoped3A_430 : memref<!tpu.dma_semaphore, #tpu.memory_space<semaphore_mem>>) src(%arg8 : memref<80x128xf32, #tpu.memory_space<vmem>>) dst(%dma_wait3A_442 : memref<10000x128xf32, #tpu.memory_space<vmem_shared>>)
      tpu.yield
    }) : () -> ()
    %dma_wait3A_408 = arith.constant 0 : i32
    %dma_wait3A_409 = tpu.memref_slice %arg2[%add3A_356, %mul3A_5, %dma_wait3A_408] : memref<4x160000x128xf32, #tpu.memory_space<hbm>> -> memref<1x80x128xf32, #tpu.memory_space<hbm>>
    %dma_wait3A_410 = tpu.memref_squeeze %dma_wait3A_409 : memref<1x80x128xf32, #tpu.memory_space<hbm>> -> memref<80x128xf32, #tpu.memory_space<hbm>>
    %dma_wait3A_411 = arith.constant 0 : i32
    %dma_wait3A_412 = tpu.memref_slice %arg2[%add3A_356, %mul3A_5, %dma_wait3A_411] : memref<4x160000x128xf32, #tpu.memory_space<hbm>> -> memref<1x80x128xf32, #tpu.memory_space<hbm>>
    %dma_wait3A_413 = tpu.memref_squeeze %dma_wait3A_412 : memref<1x80x128xf32, #tpu.memory_space<hbm>> -> memref<80x128xf32, #tpu.memory_space<hbm>>
    tpu.wait_dma2 semaphore(%arg11 : memref<!tpu.dma_semaphore, #tpu.memory_space<semaphore_mem>>) src(%dma_wait3A_413 : memref<80x128xf32, #tpu.memory_space<hbm>>) dst(%arg6 : memref<80x128xf32, #tpu.memory_space<vmem>>)
    %run_scoped3A_414 = arith.constant 123 : i32
    "tpu.region"() ({
      %run_scoped3A_430 = tpu.sem_alloc : memref<!tpu.dma_semaphore, #tpu.memory_space<semaphore_mem>>
      %dma_start3A_431 = arith.constant 0 : i32
      %dma_start3A_432 = tpu.memref_slice %arg5[%run_scoped3A_414, %dma_start3A_431] : memref<125x80xi32, #tpu.memory_space<vmem>> -> memref<1x80xi32, #tpu.memory_space<vmem>>
      %dma_start3A_433 = tpu.memref_squeeze %dma_start3A_432 : memref<1x80xi32, #tpu.memory_space<vmem>> -> memref<80xi32, #tpu.memory_space<vmem>>
      %dma_start3A_434 = arith.constant 0 : i32
      %dma_start3A_435 = arith.constant 0 : i32
      %dma_start3A_436 = tpu.memref_slice %arg10[%dma_start3A_434, %dma_start3A_435] : memref<10000x128xf32, #tpu.memory_space<vmem_shared>> -> memref<10000x128xf32, #tpu.memory_space<vmem_shared>>
      tpu.enqueue_indirect_dma source(%arg6 : memref<80x128xf32, #tpu.memory_space<vmem>>) target(%dma_start3A_436 : memref<10000x128xf32, #tpu.memory_space<vmem_shared>>) offsets(%dma_start3A_433 : memref<80xi32, #tpu.memory_space<vmem>>) semaphore(%run_scoped3A_430 : memref<!tpu.dma_semaphore, #tpu.memory_space<semaphore_mem>>) {add = true}
      %dma_wait3A_437 = arith.constant 0 : i32
      %dma_wait3A_438 = tpu.memref_slice %arg5[%run_scoped3A_414, %dma_wait3A_437] : memref<125x80xi32, #tpu.memory_space<vmem>> -> memref<1x80xi32, #tpu.memory_space<vmem>>
      %dma_wait3A_439 = tpu.memref_squeeze %dma_wait3A_438 : memref<1x80xi32, #tpu.memory_space<vmem>> -> memref<80xi32, #tpu.memory_space<vmem>>
      %dma_wait3A_440 = arith.constant 0 : i32
      %dma_wait3A_441 = arith.constant 0 : i32
      %dma_wait3A_442 = tpu.memref_slice %arg10[%dma_wait3A_440, %dma_wait3A_441] : memref<10000x128xf32, #tpu.memory_space<vmem_shared>> -> memref<10000x128xf32, #tpu.memory_space<vmem_shared>>
      tpu.wait_indirect_dma semaphore(%run_scoped3A_430 : memref<!tpu.dma_semaphore, #tpu.memory_space<semaphore_mem>>) src(%arg6 : memref<80x128xf32, #tpu.memory_space<vmem>>) dst(%dma_wait3A_442 : memref<10000x128xf32, #tpu.memory_space<vmem_shared>>)
      tpu.yield
    }) : () -> ()
    %dma_wait3A_415 = arith.constant 0 : i32
    %dma_wait3A_416 = tpu.memref_slice %arg2[%add3A_356, %mul3A_5, %dma_wait3A_415] : memref<4x160000x128xf32, #tpu.memory_space<hbm>> -> memref<1x80x128xf32, #tpu.memory_space<hbm>>
    %dma_wait3A_417 = tpu.memref_squeeze %dma_wait3A_416 : memref<1x80x128xf32, #tpu.memory_space<hbm>> -> memref<80x128xf32, #tpu.memory_space<hbm>>
    %dma_wait3A_418 = arith.constant 0 : i32
    %dma_wait3A_419 = tpu.memref_slice %arg2[%add3A_356, %mul3A_5, %dma_wait3A_418] : memref<4x160000x128xf32, #tpu.memory_space<hbm>> -> memref<1x80x128xf32, #tpu.memory_space<hbm>>
    %dma_wait3A_420 = tpu.memref_squeeze %dma_wait3A_419 : memref<1x80x128xf32, #tpu.memory_space<hbm>> -> memref<80x128xf32, #tpu.memory_space<hbm>>
    tpu.wait_dma2 semaphore(%arg12 : memref<!tpu.dma_semaphore, #tpu.memory_space<semaphore_mem>>) src(%dma_wait3A_420 : memref<80x128xf32, #tpu.memory_space<hbm>>) dst(%arg7 : memref<80x128xf32, #tpu.memory_space<vmem>>)
    %run_scoped3A_421 = arith.constant 124 : i32
    "tpu.region"() ({
      %run_scoped3A_430 = tpu.sem_alloc : memref<!tpu.dma_semaphore, #tpu.memory_space<semaphore_mem>>
      %dma_start3A_431 = arith.constant 0 : i32
      %dma_start3A_432 = tpu.memref_slice %arg5[%run_scoped3A_421, %dma_start3A_431] : memref<125x80xi32, #tpu.memory_space<vmem>> -> memref<1x80xi32, #tpu.memory_space<vmem>>
      %dma_start3A_433 = tpu.memref_squeeze %dma_start3A_432 : memref<1x80xi32, #tpu.memory_space<vmem>> -> memref<80xi32, #tpu.memory_space<vmem>>
      %dma_start3A_434 = arith.constant 0 : i32
      %dma_start3A_435 = arith.constant 0 : i32
      %dma_start3A_436 = tpu.memref_slice %arg10[%dma_start3A_434, %dma_start3A_435] : memref<10000x128xf32, #tpu.memory_space<vmem_shared>> -> memref<10000x128xf32, #tpu.memory_space<vmem_shared>>
      tpu.enqueue_indirect_dma source(%arg7 : memref<80x128xf32, #tpu.memory_space<vmem>>) target(%dma_start3A_436 : memref<10000x128xf32, #tpu.memory_space<vmem_shared>>) offsets(%dma_start3A_433 : memref<80xi32, #tpu.memory_space<vmem>>) semaphore(%run_scoped3A_430 : memref<!tpu.dma_semaphore, #tpu.memory_space<semaphore_mem>>) {add = true}
      %dma_wait3A_437 = arith.constant 0 : i32
      %dma_wait3A_438 = tpu.memref_slice %arg5[%run_scoped3A_421, %dma_wait3A_437] : memref<125x80xi32, #tpu.memory_space<vmem>> -> memref<1x80xi32, #tpu.memory_space<vmem>>
      %dma_wait3A_439 = tpu.memref_squeeze %dma_wait3A_438 : memref<1x80xi32, #tpu.memory_space<vmem>> -> memref<80xi32, #tpu.memory_space<vmem>>
      %dma_wait3A_440 = arith.constant 0 : i32
      %dma_wait3A_441 = arith.constant 0 : i32
      %dma_wait3A_442 = tpu.memref_slice %arg10[%dma_wait3A_440, %dma_wait3A_441] : memref<10000x128xf32, #tpu.memory_space<vmem_shared>> -> memref<10000x128xf32, #tpu.memory_space<vmem_shared>>
      tpu.wait_indirect_dma semaphore(%run_scoped3A_430 : memref<!tpu.dma_semaphore, #tpu.memory_space<semaphore_mem>>) src(%arg7 : memref<80x128xf32, #tpu.memory_space<vmem>>) dst(%dma_wait3A_442 : memref<10000x128xf32, #tpu.memory_space<vmem_shared>>)
      tpu.yield
    }) : () -> ()
    %run_scoped3A_422 = arith.constant 124 : i32
    "tpu.region"() ({
      %run_scoped3A_430 = tpu.sem_alloc : memref<!tpu.dma_semaphore, #tpu.memory_space<semaphore_mem>>
      %dma_start3A_431 = arith.constant 0 : i32
      %dma_start3A_432 = tpu.memref_slice %arg5[%run_scoped3A_422, %dma_start3A_431] : memref<125x80xi32, #tpu.memory_space<vmem>> -> memref<1x80xi32, #tpu.memory_space<vmem>>
      %dma_start3A_433 = tpu.memref_squeeze %dma_start3A_432 : memref<1x80xi32, #tpu.memory_space<vmem>> -> memref<80xi32, #tpu.memory_space<vmem>>
      %dma_start3A_434 = arith.constant 0 : i32
      %dma_start3A_435 = arith.constant 0 : i32
      %dma_start3A_436 = tpu.memref_slice %arg10[%dma_start3A_434, %dma_start3A_435] : memref<10000x128xf32, #tpu.memory_space<vmem_shared>> -> memref<10000x128xf32, #tpu.memory_space<vmem_shared>>
      tpu.enqueue_indirect_dma source(%arg9 : memref<80x128xf32, #tpu.memory_space<vmem>>) target(%dma_start3A_436 : memref<10000x128xf32, #tpu.memory_space<vmem_shared>>) offsets(%dma_start3A_433 : memref<80xi32, #tpu.memory_space<vmem>>) semaphore(%run_scoped3A_430 : memref<!tpu.dma_semaphore, #tpu.memory_space<semaphore_mem>>) {add = true}
      %dma_wait3A_437 = arith.constant 0 : i32
      %dma_wait3A_438 = tpu.memref_slice %arg5[%run_scoped3A_422, %dma_wait3A_437] : memref<125x80xi32, #tpu.memory_space<vmem>> -> memref<1x80xi32, #tpu.memory_space<vmem>>
      %dma_wait3A_439 = tpu.memref_squeeze %dma_wait3A_438 : memref<1x80xi32, #tpu.memory_space<vmem>> -> memref<80xi32, #tpu.memory_space<vmem>>
      %dma_wait3A_440 = arith.constant 0 : i32
      %dma_wait3A_441 = arith.constant 0 : i32
      %dma_wait3A_442 = tpu.memref_slice %arg10[%dma_wait3A_440, %dma_wait3A_441] : memref<10000x128xf32, #tpu.memory_space<vmem_shared>> -> memref<10000x128xf32, #tpu.memory_space<vmem_shared>>
      tpu.wait_indirect_dma semaphore(%run_scoped3A_430 : memref<!tpu.dma_semaphore, #tpu.memory_space<semaphore_mem>>) src(%arg9 : memref<80x128xf32, #tpu.memory_space<vmem>>) dst(%dma_wait3A_442 : memref<10000x128xf32, #tpu.memory_space<vmem_shared>>)
      tpu.yield
    }) : () -> ()
    %barrier3A_423 = arith.constant 0 : index
    tpu.barrier barrier_id(%barrier3A_423)
    %add3A_424 = arith.constant 1 : i32
    %add3A_425 = arith.addi %mul3A_9, %add3A_424 : i32
    %mul3A_426 = arith.constant 625 : i32
    %mul3A_427 = arith.muli %arg1, %mul3A_426 : i32
    %mul3A_428 = arith.constant 625 : i32
    %mul3A_429 = arith.muli %arg1, %mul3A_428 : i32
    "tpu.region"() ({
      %run_scoped3A_430 = tpu.sem_alloc : memref<!tpu.dma_semaphore, #tpu.memory_space<semaphore_mem>>
      %dma_start3A_431 = arith.constant 0 : i32
      %dma_start3A_432 = tpu.memref_slice %arg4[%add3A_425, %mul3A_429, %dma_start3A_431] : memref<4x10000x128xf32, #tpu.memory_space<hbm>> -> memref<1x625x128xf32, #tpu.memory_space<hbm>>
      %dma_start3A_433 = tpu.memref_squeeze %dma_start3A_432 : memref<1x625x128xf32, #tpu.memory_space<hbm>> -> memref<625x128xf32, #tpu.memory_space<hbm>>
      %dma_start3A_434 = arith.constant 0 : i32
      %dma_start3A_435 = tpu.memref_slice %arg10[%mul3A_427, %dma_start3A_434] : memref<10000x128xf32, #tpu.memory_space<vmem_shared>> -> memref<625x128xf32, #tpu.memory_space<vmem_shared>>
      tpu.enqueue_dma source(%dma_start3A_435 : memref<625x128xf32, #tpu.memory_space<vmem_shared>>) target(%dma_start3A_433 : memref<625x128xf32, #tpu.memory_space<hbm>>) target_semaphore(%run_scoped3A_430 : memref<!tpu.dma_semaphore, #tpu.memory_space<semaphore_mem>>)
      %dma_wait3A_436 = arith.constant 0 : i32
      %dma_wait3A_437 = tpu.memref_slice %arg4[%add3A_425, %mul3A_429, %dma_wait3A_436] : memref<4x10000x128xf32, #tpu.memory_space<hbm>> -> memref<1x625x128xf32, #tpu.memory_space<hbm>>
      %dma_wait3A_438 = tpu.memref_squeeze %dma_wait3A_437 : memref<1x625x128xf32, #tpu.memory_space<hbm>> -> memref<625x128xf32, #tpu.memory_space<hbm>>
      %dma_wait3A_439 = arith.constant 0 : i32
      %dma_wait3A_440 = tpu.memref_slice %arg10[%mul3A_427, %dma_wait3A_439] : memref<10000x128xf32, #tpu.memory_space<vmem_shared>> -> memref<625x128xf32, #tpu.memory_space<vmem_shared>>
      tpu.wait_dma2 semaphore(%run_scoped3A_430 : memref<!tpu.dma_semaphore, #tpu.memory_space<semaphore_mem>>) src(%dma_wait3A_440 : memref<625x128xf32, #tpu.memory_space<vmem_shared>>) dst(%dma_wait3A_438 : memref<625x128xf32, #tpu.memory_space<hbm>>)
      tpu.yield
    }) : () -> ()
    return
  }
}

</mosaic_0001>

<sc_bundles>
// kernel: kernel.3.cloned.1.call-start
scs
__scs_entry_jumppad:
0x0: {  	(pc) =	sbr.rel $0x88, $3  }
0x1: {  	(tag) =	ssettag $0x0;
	lr =	simm.s32 $0x1  }
0x2: {  	[smem:$0x3F9F] =	sst lr;
	_ =	strace $0xD0000000  }
0x3: {  	_ = 	snop  }
0x4: {  	_ = 	snop  }
0x5: {  	_ = 	snop  }
0x6: {  	_ = 	snop  }
0x7: {  	_ = 	snop  }
__scs_overlays_trampoline_lowered:
0x8: {  	[smem:$0x3FAE] =	sst s0  }
0x9: {  	[smem:$0x3FAF] =	sst s1  }
0xa: {  	[smem:$0x3FB0] =	sst s2  }
0xb: {  	[smem:$0x3FB1] =	sst s3  }
0xc: {  	[smem:$0x3FB2] =	sst s4  }
0xd: {  	[smem:$0x3FB3] =	sst s5  }
0xe: {  	[smem:$0x3FB4] =	sst s6  }
0xf: {  	[smem:$0x3FB5] =	sst s7  }
0x10: {  	[smem:$0x3FB6] =	sst s8  }
0x11: {  	[smem:$0x3FB7] =	sst s9;
	s0 =	simm.s32 @!p0 $0x0  }
0x12: {  	s1 =	sld [smem:$0x3F9D];
	s0 =	simm.s32 @p0 $0x1  }
0x13: {  	[smem:$0x3FB8] =	sst s0;
	s0 =	simm.s32 @!p1 $0x0  }
0x14: {  	s2 =	sld [smem:$0x3F9C];
	s0 =	simm.s32 @p1 $0x1  }
0x15: {  	[smem:$0x3FB9] =	sst s0;
	s0 =	simm.s32 @!p2 $0x0  }
0x16: {  	s3 =	sld [smem:$0x3FDB];
	s0 =	simm.s32 @p2 $0x1  }
0x17: {  	s4 =	simm.s32 $0x1BF5;
	[smem:$0x3FBB] =	sst s0  }
0x18: {  	s0 =	sld [smem:$0x3F9E];
	_ =	swait.ge [sflag:s4], $0x0  }
0x19: {  	s7 =	sld [smem:$0x3F9F]  }
0x1a: {  	s8 =	sadd.s32 $0xFFFFE003, lr  }
0x1b: {  	s9 =	sadd.s32 $0xFFFFFEF7, lr;
	s5 =	simm.s32 $0xFFFFFFFF;
	p2 =	slt.u32 s8, $0xFFFFF086  }
0x1c: {  	p1 =	slt.u32 s9, $0xF7A;
	s5 =	simm.s32 @!p2 $0x0  }
0x1d: {  	s5 =	simm.s32 @p1 $0x1;
	p0 =	seq.s32 s7, s2  }
0x1e: {  	s7 =	smul.u32 @!p0 $0xF7A, s2;
	p2 =	seq.s32 @!p0 s5, $0x0  }
0x1f: {  	s9 =	smul.u32 $0xF7A, s1;
	s8 =	simm.s32 @!p0 $0x1BF5;
	p2 =	por !p2, p0  }
0x20: {  	[sflag:s8] =	ssyncset.s32 @!p0 $0xFFFFF086;
	s6 =	sadd.s32 @!p0 s3, s7;
	s7 =	simm.s32 @!p0 $0x108  }
0x21: {  	s3 =	sadd.s32 s3, s9;
	s6 =	sadd.s32 @!p0 $0x88, s6;
	s7 =	simm.s32 @p2 $0x1082  }
0x22: {  	[simem:s7], [sflag:s8] =	dma.local @!p0 [hbm:s6], $0xF7A  }
0x23: {  	s9 =	sor.u32 $0xD0000000, s2;
	s6 =	simm.s32 $0x108;
	_ =	swait.ge @!p0 [sflag:s8], $0x0  }
0x24: {  	s3 =	sadd.s32 $0x88, s3;
	s6 =	simm.s32 @!p1 $0x1082;
	[sflag:s4] =	ssyncset.s32 $0xFFFFF086  }
0x25: {  	[simem:s6], [sflag:s4] =	dma.local [hbm:s3], $0xF7A  }
0x26: {  	[smem:$0x3F9F] =	sst s1;
	(tag) =	ssettag s2;
	_ =	strace s9  }
0x27: {  	s1 =	sld [smem:$0x3FAF]  }
0x28: {  	s2 =	sld [smem:$0x3FB0]  }
0x29: {  	s4 =	sld [smem:$0x3FB2]  }
0x2a: {  	p0 =	seq.s32 s5, $0x0;
	s5 =	sld [smem:$0x3FB3]  }
0x2b: {  	s6 =	sld [smem:$0x3FB4]  }
0x2c: {  	s7 =	sld [smem:$0x3FB5]  }
0x2d: {  	s3 =	simm.s32 $0x108;
	s8 =	sld [smem:$0x3FB6]  }
0x2e: {  	s3 =	simm.s32 @!p0 $0x1082;
	s9 =	sld [smem:$0x3FB7]  }
0x2f: {  	lr =	sadd.s32 s0, s3;
	s0 =	sld [smem:$0x3FAE]  }
0x30: {  	s3 =	sld [smem:$0x3FB1]  }
0x31: {  	[smem:$0x3FBA] =	sst s10  }
0x32: {  	s10 =	sld [smem:$0x3FB8];
	_ =	sdelay $0x3  }
0x33: {  	p0 =	seq.s32 s10, $0x1;
	s10 =	sld [smem:$0x3FBA];
	_ =	sdelay $0x3  }
0x34: {  	[smem:$0x3FBA] =	sst s10  }
0x35: {  	s10 =	sld [smem:$0x3FB9];
	_ =	sdelay $0x3  }
0x36: {  	p1 =	seq.s32 s10, $0x1;
	s10 =	sld [smem:$0x3FBA];
	_ =	sdelay $0x3  }
0x37: {  	[smem:$0x3FBA] =	sst s10  }
0x38: {  	s10 =	sld [smem:$0x3FBB]  }
0x39: {  	_ = 	snop;
	(pc) =	sbr.ind lr, $3  }
0x3a: {  	_ = 	snop  }
0x3b: {  	_ = 	snop  }
0x3c: {  	p2 =	seq.s32 s10, $0x1;
	s10 =	sld [smem:$0x3FBA]  }
0x3d: {  	_ =	shalt  }
0x3e: {  	_ =	shalt  }
0x3f: {  	_ =	shalt  }
0x40: {  	_ =	shalt  }
0x41: {  	_ =	shalt  }
0x42: {  	_ =	shalt  }
0x43: {  	_ =	shalt  }
0x44: {  	_ =	shalt  }
0x45: {  	_ =	shalt  }
0x46: {  	_ =	shalt  }
0x47: {  	_ =	shalt  }
0x48: {  	_ =	shalt  }
0x49: {  	_ =	shalt  }
0x4a: {  	_ =	shalt  }
0x4b: {  	_ =	shalt  }
0x4c: {  	_ =	shalt  }
0x4d: {  	_ =	shalt  }
0x4e: {  	_ =	shalt  }
0x4f: {  	_ =	shalt  }
0x50: {  	_ =	shalt  }
0x51: {  	_ =	shalt  }
0x52: {  	_ =	shalt  }
0x53: {  	_ =	shalt  }
0x54: {  	_ =	shalt  }
0x55: {  	_ =	shalt  }
0x56: {  	_ =	shalt  }
0x57: {  	_ =	shalt  }
0x58: {  	_ =	shalt  }
0x59: {  	_ =	shalt  }
0x5a: {  	_ =	shalt  }
0x5b: {  	_ =	shalt  }
0x5c: {  	_ =	shalt  }
0x5d: {  	_ =	shalt  }
0x5e: {  	_ =	shalt  }
0x5f: {  	_ =	shalt  }
0x60: {  	_ =	shalt  }
0x61: {  	_ =	shalt  }
0x62: {  	_ =	shalt  }
0x63: {  	_ =	shalt  }
0x64: {  	_ =	shalt  }
0x65: {  	_ =	shalt  }
0x66: {  	_ =	shalt  }
0x67: {  	_ =	shalt  }
0x68: {  	_ =	shalt  }
0x69: {  	_ =	shalt  }
0x6a: {  	_ =	shalt  }
0x6b: {  	_ =	shalt  }
0x6c: {  	_ =	shalt  }
0x6d: {  	_ =	shalt  }
0x6e: {  	_ =	shalt  }
0x6f: {  	_ =	shalt  }
0x70: {  	_ =	shalt  }
0x71: {  	_ =	shalt  }
0x72: {  	_ =	shalt  }
0x73: {  	_ =	shalt  }
0x74: {  	_ =	shalt  }
0x75: {  	_ =	shalt  }
0x76: {  	_ =	shalt  }
0x77: {  	_ =	shalt  }
0x78: {  	_ =	shalt  }
0x79: {  	_ =	shalt  }
0x7a: {  	_ =	shalt  }
0x7b: {  	_ =	shalt  }
0x7c: {  	_ =	shalt  }
0x7d: {  	_ =	shalt  }
0x7e: {  	_ =	shalt  }
0x7f: {  	_ =	shalt  }
0x80: {  	_ =	shalt  }
0x81: {  	_ =	shalt  }
0x82: {  	_ =	shalt  }
0x83: {  	_ =	shalt  }
0x84: {  	_ =	shalt  }
0x85: {  	_ =	shalt  }
0x86: {  	_ =	shalt  }
0x87: {  	_ =	shalt  }
.Lfunc_end0:
.L_simem_size_0:
called_computation_lowered:
.L_overlay_start_0:
0x88: {  	s2 =	sld [smem:$0x3FD9]  }
0x89: {  	s3 =	sld [smem:$0x3FFE];
	_ =	sdelay $0x1  }
0x8a: {  	s1 =	srdreg.scid  }
0x8b: {  	s0 =	sand.u32 $0x1, s1  }
0x8c: {  	s17 =	sshll.u32 s0, $0xA;
	s2 =	sadd.s32 s3, s2  }
0x8d: {  	s2 =	sadd.s32 s2, s17  }
0x8e: {  	[smem:$0x3FC6] =	sst s2  }
0x8f: {  	_ = 	snop  }
0x90: {  	s2 =	sld [smem:$0x3FC9]  }
0x91: {  	s18 =	sld [smem:$0x3FD0];
	(tm) =	ssettm $0x1  }
0x92: {  	s4 =	sld [smem:$0x3FFB];
	_ =	sdelay $0x3  }
0x93: {  	_ =	strace s4  }
0x94: {  	s4 =	sld [smem:$0x3FFC];
	_ =	sdelay $0x3  }
0x95: {  	_ =	strace s4  }
0x96: {  	s4 =	sld [smem:$0x3FFD];
	_ =	sdelay $0x3  }
0x97: {  	_ =	strace s4  }
0x98: {  	_ =	strace $0x8FFFFFFF  }
0x99: {  	s19 =	sld [smem:$0x3FDB];
	_ =	sdelay $0x1  }
0x9a: {  	s5 =	simm.s32 $_scs_section_size  }
0x9b: {  	s6 =	simm.s32 $_size__tile_overlayer_lowered;
	s7 =	simm.s32 $_tile_overlayer_lowered  }
0x9c: {  	s22 =	simm.s32 $0x1BFF;
	s21 =	sshll.u32 s7, $0x1;
	s4 =	sadd.s32 s5, s19  }
0x9d: {  	s8 =	simm.s32 $0x0;
	s20 =	sshll.u32 s6, $0x1;
	s6 =	sadd.s32 s21, s4  }
0x9e: {  	[timem:s8], [sflag:s22] =	dma.local [hbm:s6], s20  }
0x9f: {  	_ =	swait.ge [sflag:s22], s20  }
0xa0: {  	s5 =	ssub.s32 $0x0, s20;
	[sflag:s22] =	ssyncset.done $0x0  }
0xa1: {  	[sflag:s22] =	ssyncadd.s32 s5;
	_ =	sdelay $0x1  }
0xa2: {  	s23 =	simm.s32 $0x1B8B  }
0xa3: {  	_ =	swait.ge [sflag:s23], $0x1  }
0xa4: {  	[sflag:s23] =	ssyncset.done $0x0  }
0xa5: {  	s25 =	simm.s32 $0x1B8E;
	s24 =	sld [smem:$0x3FFE];
	[sflag:s23] =	ssyncadd.s32 $0xFFFFFFFF  }
0xa6: {  	s26 =	simm.s32 $execute0_lowered;
	[smem:$0x3FD2] =	sst s25  }
0xa7: {  	s6 =	sshll.u32 s26, $0x1;
	_ =	strace $0x80000046;
	[dreg:$0x1] =	wrdreg $0xFFFFFFFF  }
0xa8: {  	s28 =	simm.s32 $_size_execute0_lowered;
	s4 =	sadd.s32 s4, s6;
	[dreg:$0x0] =	wrdreg $0x0  }
0xa9: {  	s6 =	sshll.u32 s28, $0x1;
	[dreg:$0x2] =	wrdreg s4  }
0xaa: {  	[dreg:$0x3] =	wrdreg s6  }
0xab: {  	[dreg:$0x4] =	wrdreg $0xC0  }
0xac: {  	_ =	task [dreg:s8], $0x5FFFF  }
0xad: {  	[dreg:$0x1] =	wrdreg $0xFFFFFFFF  }
0xae: {  	[dreg:$0x0] =	wrdreg $0x60  }
0xaf: {  	[dreg:$0x2] =	wrdreg s2  }
0xb0: {  	[dreg:$0x3] =	wrdreg s24  }
0xb1: {  	[dreg:$0x4] =	wrdreg s18  }
0xb2: {  	[dreg:$0x5] =	wrdreg $0xC7100  }
0xb3: {  	[dreg:$0x6] =	wrdreg $0x9  }
0xb4: {  	_ =	task.clear_ibuf [dreg:s8], $0x7FFFF;
	_ =	strace $0x90000046  }
0xb5: {  	s29 =	simm.s32 $0x9;
	_ =	strace $0x80000048  }
0xb6: {  	_ =	swait.ge [sflag:s29], $0x1  }
0xb7: {  	[sflag:s29] =	ssyncadd.s32 $0xFFFFFFFF  }
0xb8: {  	_ =	strace $0x90000048  }
0xb9: {  	_ =	sfence  }
0xba: {  	s30 =	sld [smem:$0x0];
	_ =	sdelay $0x2  }
0xbb: {  	s31 =	sshll.u32 s1, $0xD;
	s1 =	sshrl.u32 s1, $0x2  }
0xbc: {  	s3 =	sand.u32 $0x4000, s31;
	s1 =	sadd.s32 s1, s30  }
0xbd: {  	s0 =	sor.u32 s3, s0;
	s1 =	sshll.u32 s1, $0x11  }
0xbe: {  	s0 =	sor.u32 s1, s0  }
0xbf: {  	s0 =	sadd.s32 $0x8F2B, s0  }
0xc0: {  	[sflag:s0] =	ssyncadd.remote.s32 $0x1  }
0xc1: {  	_ =	sfence.sel $0xFFFF  }
0xc2: {  	[dreg:$0x0] =	wrdreg $0xFFFFFFFF;
	(pc) =	sbr.abs _section_cstart, $3  }
0xc3: {  	[dreg:$0x1] =	wrdreg $0xFFFFFFFF  }
0xc4: {  	_ =	task.clear_ibuf [dreg:s8], $0x2FFFF;
	_ =	strace $0x9FFFFFFF  }
0xc5: {  	(tm) =	ssettm $0x7FFFFFFF  }
tec
execute0_lowered:
.L_overlay_start_1:
0x0: {  	(tag) =	ssettag $0x1  }
0x1: {  	s15 =	stileid.u32  }
0x2: {  	s0 =	rddreg [dreg:$0x0];
	s7 =	smul.u32 $0x2710, s15  }
0x3: {  	s1 =	srdreg.scid;
	s10 =	smul.u32 $0x138800, s15  }
0x4: {  	s2 =	rddreg [dreg:$0x1];
	s6 =	sand.u32 $0x1, s1;
	s13 =	smul.u32 $0x4E200, s15  }
0x5: {  	s4 =	rddreg [dreg:$0x2];
	s3 =	smul.u32 $0x4E200, s6  }
0x6: {  	s1 =	simm.s32 $0x0;
	s11 =	sadd.s32 $0x400, s2;
	s8 =	smul.u32 $0x2710000, s6  }
0x7: {  	s5 =	ssub.s32 $0x2, s6;
	s17 =	smul.u32 $0x271000, s6;
	s6 =	sshllo.u32 s6, $0x1  }
0x8: {  	[smem:$0x7FF] =	sst s1;
	s9 =	sshrl.u32 s5, $0x1;
	s18 =	smul.u32 $0x27100, s6  }
0x9: {  	s25 =	sadd.s32 $0x5000, s10;
	s26 =	sadd.s32 $0x7800, s10;
	s19 =	smul.u32 $0x1388000, s6  }
0xa: {  	s13 =	sshrl.u32 s13, $0x2;
	s16 =	sadd.s32 $0x136000, s10;
	s6 =	smul.u32 $0x138800, s6  }
0xb: {  	s2 =	ssub.s32 s5, s9;
	s3 =	sadd.s32 s7, s3;
	s9 =	sadd.s32 $0x2800, s10  }
0xc: {  	s14 =	sadd.s32 s8, s25;
	s20 =	sadd.s32 s8, s26;
	s22 =	sshrl.u32 s3, $0x3  }
0xd: {  	s3 =	sadd.s32 s10, s8;
	s12 =	sadd.s32 s8, s9;
	s14 =	sshrl.u32 s14, $0x3  }
0xe: {  	s8 =	sadd.s32 s8, s16;
	s7 =	sadd.s32 s7, s18;
	s9 =	sadd.s32 s9, s19  }
0xf: {  	s25 =	sadd.s32 s25, s19;
	s26 =	sadd.s32 s26, s19;
	s5 =	sadd.s32 s11, s22  }
0x10: {  	s23 =	sshrl.u32 s3, $0x3;
	s24 =	sshrl.u32 s12, $0x3;
	s14 =	sadd.s32 s0, s14  }
0x11: {  	s8 =	sshrl.u32 s8, $0x3;
	s22 =	sadd.s32 s10, s19;
	s7 =	sshrl.u32 s7, $0x3  }
0x12: {  	s10 =	sadd.s32 s16, s19;
	s16 =	sadd.s32 $0xA000, s3;
	[dreg:$0x5] =	wrdreg s5  }
0x13: {  	s5 =	sadd.s32 s0, s23;
	[dreg:$0x8] =	wrdreg s14;
	s14 =	sshrl.u32 s20, $0x3  }
0x14: {  	s8 =	sadd.s32 s0, s8;
	s7 =	sadd.s32 s11, s7;
	[dreg:$0x6] =	wrdreg s5  }
0x15: {  	s11 =	sadd.s32 $0xF000, s3;
	s18 =	sshrl.u32 s16, $0x3;
	[dreg:$0xa] =	wrdreg s8  }
0x16: {  	s5 =	sadd.s32 s0, s24;
	s14 =	sadd.s32 s0, s14;
	[dreg:$0xc] =	wrdreg s7  }
0x17: {  	s24 =	sshrl.u32 s9, $0x3;
	s12 =	sshrl.u32 s11, $0x3;
	[dreg:$0x7] =	wrdreg s5  }
0x18: {  	s11 =	simm.s32 $0x2;
	s5 =	smul.u32 $0x13880, s15;
	[dreg:$0x9] =	wrdreg s14  }
0x19: {  	s7 =	sadd.s32 s0, s24;
	s14 =	sadd.s32 s12, s0;
	s15 =	sadd.s32 $0xC800, s3  }
0x1a: {  	s12 =	simm.s32 $0x3;
	[dreg:$0xe] =	wrdreg s7;
	s7 =	sshrl.u32 s25, $0x3  }
0x1b: {  	[dreg:$0x13] =	wrdreg s14;
	s17 =	sadd.s32 s5, s17;
	s7 =	sadd.s32 s0, s7  }
0x1c: {  	s6 =	sadd.s32 s5, s6;
	s21 =	sshrl.u32 s17, $0x3;
	[dreg:$0xf] =	wrdreg s7  }
0x1d: {  	s7 =	sshrl.u32 s10, $0x3;
	s6 =	sshrl.u32 s6, $0x3;
	s17 =	sadd.s32 $0x1397000, s3  }
0x1e: {  	s10 =	simm.s32 $0x6;
	s8 =	sadd.s32 s4, s21;
	s7 =	sadd.s32 s0, s7  }
0x1f: {  	s4 =	sadd.s32 s4, s6;
	s19 =	sshrl.u32 s17, $0x3;
	s21 =	sadd.s32 $0x1394800, s3  }
0x20: {  	s3 =	sadd.s32 $0x1392000, s3;
	s6 =	simm.s32 $0x4;
	[dreg:$0xb] =	wrdreg s8  }
0x21: {  	s17 =	simm.s32 $0x2620;
	s8 =	sshrl.u32 s22, $0x3;
	[dreg:$0x11] =	wrdreg s7  }
0x22: {  	[dreg:$0x12] =	wrdreg s4;
	s4 =	sshrl.u32 s15, $0x3;
	s20 =	sadd.s32 s19, s0  }
0x23: {  	s3 =	sshrl.u32 s3, $0x3;
	s23 =	sadd.s32 s0, s8;
	[dreg:$0x16] =	wrdreg s20  }
0x24: {  	s8 =	sshrl.u32 s26, $0x3;
	s4 =	sadd.s32 s4, s0;
	[dreg:$0xd] =	wrdreg s23  }
0x25: {  	s7 =	simm.s32 $0x1;
	s9 =	sadd.s32 s0, s8;
	[dreg:$0x14] =	wrdreg s4  }
0x26: {  	s15 =	simm.s32 $0x26C0;
	s4 =	sadd.s32 s18, s0;
	[dreg:$0x10] =	wrdreg s9  }
0x27: {  	s23 =	smax.u32 s2, $0x1;
	s2 =	simm.s32 $0x2710;
	[dreg:$0x15] =	wrdreg s4  }
0x28: {  	s8 =	simm.s32 $0x7710;
	s4 =	sshrl.u32 s21, $0x3;
	s21 =	rddreg [dreg:$0x3]  }
0x29: {  	s9 =	simm.s32 $0x50;
	s4 =	sadd.s32 s4, s0;
	s0 =	sadd.s32 s3, s0  }
0x2a: {  	s22 =	sadd.s32 s13, s21;
	s24 =	sadd.s32 s5, s21;
	[dreg:$0x17] =	wrdreg s4  }
0x2b: {  	s3 =	simm.s32 $0x4F10;
	s5 =	simm.s32 $0x5;
	[dreg:$0x18] =	wrdreg s0  }
0x2c: {  	s25 =	sadd.s32 $0x2800, s22;
	s26 =	sadd.s32 $0x5000, s22;
	s28 =	sadd.s32 $0x7800, s22  }
0x2d: {  	s29 =	sadd.s32 $0xA000, s22;
	s30 =	sadd.s32 $0xC800, s22;
	s31 =	sadd.s32 $0xF000, s22  }
0x2e: {  	s20 =	sadd.s32 $0x11800, s22;
	s4 =	simm.s32 $0x9F10;
	s0 =	simm.s32 $0x0  }
0x2f: {  	v0 =	vimm.f32 $0.0e+00;
	_ =	strace $0x80000047;
	[dreg:$0x19] =	wrdreg s23;
	s23 =	simm.s32 $0x2670  }
.LBB2_1:
0x30: {  	s13 =	sand.u32 $0xFE00, s1  }
0x31: {  	s14 =	sand.u32 $0x70, s1;
	s16 =	sshrl.u32 s13, $0x2  }
0x32: {  	s13 =	simm.s32 $0x40;
	s16 =	sor.u32 s14, s16;
	s14 =	simm.s32 $0x0  }
.LBB2_2:
0x33: {  	p0 =	sne.s32 s13, $0x9FC0  }
0x34: {  	[tilespmem:s16+$0x9F10] =	vst v0;
	s14 =	sadd.s32 $0x10, s14;
	s16 =	smov.u32 s13;
	s13 =	sadd.s32 $0x40, s13  }
.Ltmp0:
0x35: {  	(pc) =	sbr.rel @p0 .LBB2_2-.Ltmp0, $4  }
0x36: {  	_ = 	snop  }
0x37: {  	s16 =	sand.u32 $0xFE00, s16  }
0x38: {  	s18 =	sand.u32 $0x70, s14;
	s16 =	sshrl.u32 s16, $0x2  }
0x39: {  	s16 =	sor.u32 s18, s16  }
0x3a: {  	[tilespmem:s16+$0x9F10] =	vst v0;
	s13 =	simm.s32 $0x0;
	s14 =	rddreg [dreg:$0x5]  }
0x3b: {  	[tilespmem:s13], [sflag:$0x4] =	stream.linear.gather [hbm4b:s14+s13], $0x2710, $0x38;
	[tilespmem:$0x1FF90] =	vst v63  }
0x3c: {  	s18 =	rddreg [dreg:$0x6]  }
0x3d: {  	[tilespmem:s2], [sflag:$0x1] =	stream.linear.gather [hbm4b:s18+s13], $0x2800, $0x38;
	[tilespmem:$0x1FF90] =	vst v63  }
0x3e: {  	s19 =	rddreg [dreg:$0x7]  }
0x3f: {  	[tilespmem:s3], [sflag:$0x2] =	stream.linear.gather [hbm4b:s19+s13], $0x2800, $0x38;
	[tilespmem:$0x1FF90] =	vst v63  }
0x40: {  	_ = 	snop  }
0x41: {  	[spmem:s24] =	stream.linear.scatter [tilespmem:s4], [sflag:$0x5], $0x2800, $0x38;
	[tilespmem:$0x1FF90] =	vst v63  }
0x42: {  	_ = 	snop  }
0x43: {  	[spmem:s25] =	stream.linear.scatter [tilespmem:s4], [sflag:$0x5], $0x2800, $0x38;
	[tilespmem:$0x1FF90] =	vst v63  }
0x44: {  	_ = 	snop  }
0x45: {  	[spmem:s26] =	stream.linear.scatter [tilespmem:s4], [sflag:$0x5], $0x2800, $0x38;
	[tilespmem:$0x1FF90] =	vst v63  }
0x46: {  	_ = 	snop  }
0x47: {  	[spmem:s28] =	stream.linear.scatter [tilespmem:s4], [sflag:$0x5], $0x2800, $0x38;
	[tilespmem:$0x1FF90] =	vst v63  }
0x48: {  	_ = 	snop  }
0x49: {  	[spmem:s29] =	stream.linear.scatter [tilespmem:s4], [sflag:$0x5], $0x2800, $0x38;
	[tilespmem:$0x1FF90] =	vst v63  }
0x4a: {  	_ = 	snop  }
0x4b: {  	[spmem:s30] =	stream.linear.scatter [tilespmem:s4], [sflag:$0x5], $0x2800, $0x38;
	[tilespmem:$0x1FF90] =	vst v63  }
0x4c: {  	_ = 	snop  }
0x4d: {  	[spmem:s31] =	stream.linear.scatter [tilespmem:s4], [sflag:$0x5], $0x2800, $0x38;
	[tilespmem:$0x1FF90] =	vst v63  }
0x4e: {  	_ = 	snop  }
0x4f: {  	[spmem:s20] =	stream.linear.scatter [tilespmem:s4], [sflag:$0x5], $0x2080, $0x38;
	[tilespmem:$0x1FF90] =	vst v63  }
0x50: {  	_ =	swait.ge [sflag:s5], $0x2800  }
0x51: {  	[sflag:s5] =	ssyncset.done $0x0  }
0x52: {  	[sflag:s5] =	ssyncadd.s32 $0xFFFFD800  }
0x53: {  	_ =	swait.ge [sflag:s5], $0x2800  }
0x54: {  	[sflag:s5] =	ssyncset.done $0x0  }
0x55: {  	[sflag:s5] =	ssyncadd.s32 $0xFFFFD800  }
0x56: {  	_ =	swait.ge [sflag:s5], $0x2800  }
0x57: {  	[sflag:s5] =	ssyncset.done $0x0  }
0x58: {  	[sflag:s5] =	ssyncadd.s32 $0xFFFFD800  }
0x59: {  	_ =	swait.ge [sflag:s5], $0x2800  }
0x5a: {  	[sflag:s5] =	ssyncset.done $0x0  }
0x5b: {  	[sflag:s5] =	ssyncadd.s32 $0xFFFFD800  }
0x5c: {  	_ =	swait.ge [sflag:s5], $0x2800  }
0x5d: {  	[sflag:s5] =	ssyncset.done $0x0  }
0x5e: {  	[sflag:s5] =	ssyncadd.s32 $0xFFFFD800  }
0x5f: {  	_ =	swait.ge [sflag:s5], $0x2800  }
0x60: {  	[sflag:s5] =	ssyncset.done $0x0  }
0x61: {  	[sflag:s5] =	ssyncadd.s32 $0xFFFFD800  }
0x62: {  	_ =	swait.ge [sflag:s5], $0x2800  }
0x63: {  	[sflag:s5] =	ssyncset.done $0x0  }
0x64: {  	[sflag:s5] =	ssyncadd.s32 $0xFFFFD800  }
0x65: {  	_ =	swait.ge [sflag:s5], $0x2080  }
0x66: {  	[sflag:s5] =	ssyncset.done $0x0  }
0x67: {  	[sflag:s5] =	ssyncadd.s32 $0xFFFFDF80  }
0x68: {  	_ =	swait.ge [sflag:s6], $0x2710  }
0x69: {  	[sflag:s6] =	ssyncset.done $0x0  }
0x6a: {  	[sflag:s6] =	ssyncadd.s32 $0xFFFFD8F0  }
0x6b: {  	[bflag:$0x0] =	sbarrier.arrive $0xFFFF  }
0x6c: {  	_ =	swait.ge [sflag:s7], $0x2800  }
0x6d: {  	[sflag:s7] =	ssyncset.done $0x0  }
0x6e: {  	s22 =	rddreg [dreg:$0x8];
	[sflag:s7] =	ssyncadd.s32 $0xFFFFD800  }
0x6f: {  	[tilespmem:s8], [sflag:$0x3] =	stream.linear.gather [hbm4b:s22+s13], $0x2800, $0x38;
	[tilespmem:$0x1FF90] =	vst v63  }
0x70: {  	_ = 	snop  }
0x71: {  	[spmem:s21] =	stream.indirect.scatter.add.f32 [tilespmem:s2], [sflag:$0x6], $0x80, s13, s9, $0xb8;
	[tilespmem:$0x1FF90] =	vst v63  }
0x72: {  	_ =	swait.ge [sflag:s10], $0x2800  }
0x73: {  	[sflag:s10] =	ssyncset.done $0x0  }
0x74: {  	[sflag:s10] =	ssyncadd.s32 $0xFFFFD800  }
0x75: {  	_ =	swait.ge [sflag:s11], $0x2800  }
0x76: {  	[sflag:s11] =	ssyncset.done $0x0  }
0x77: {  	s16 =	rddreg [dreg:$0x9];
	[sflag:s11] =	ssyncadd.s32 $0xFFFFD800  }
0x78: {  	[tilespmem:s2], [sflag:$0x1] =	stream.linear.gather [hbm4b:s16+s13], $0x2800, $0x38;
	[tilespmem:$0x1FF90] =	vst v63  }
0x79: {  	_ = 	snop  }
0x7a: {  	[spmem:s21] =	stream.indirect.scatter.add.f32 [tilespmem:s3], [sflag:$0x6], $0x80, s9, s9, $0xb8;
	[tilespmem:$0x1FF90] =	vst v63  }
0x7b: {  	_ =	swait.ge [sflag:s10], $0x2800  }
0x7c: {  	[sflag:s10] =	ssyncset.done $0x0  }
0x7d: {  	[sflag:s10] =	ssyncadd.s32 $0xFFFFD800  }
0x7e: {  	_ =	swait.ge [sflag:s12], $0x2800  }
0x7f: {  	[sflag:s12] =	ssyncset.done $0x0  }
0x80: {  	s14 =	rddreg [dreg:$0x15];
	[sflag:s12] =	ssyncadd.s32 $0xFFFFD800  }
0x81: {  	[tilespmem:s3], [sflag:$0x2] =	stream.linear.gather [hbm4b:s14+s1], $0x2800, $0x38;
	[tilespmem:$0x1FF90] =	vst v63  }
0x82: {  	s18 =	simm.s32 $0xA0  }
0x83: {  	[spmem:s21] =	stream.indirect.scatter.add.f32 [tilespmem:s8], [sflag:$0x6], $0x80, s18, s9, $0xb8;
	[tilespmem:$0x1FF90] =	vst v63  }
0x84: {  	_ =	swait.ge [sflag:s10], $0x2800  }
0x85: {  	[sflag:s10] =	ssyncset.done $0x0  }
0x86: {  	[sflag:s10] =	ssyncadd.s32 $0xFFFFD800  }
0x87: {  	_ =	swait.ge [sflag:s7], $0x2800  }
0x88: {  	[sflag:s7] =	ssyncset.done $0x0  }
0x89: {  	s18 =	rddreg [dreg:$0x14];
	[sflag:s7] =	ssyncadd.s32 $0xFFFFD800  }
0x8a: {  	[tilespmem:s8], [sflag:$0x3] =	stream.linear.gather [hbm4b:s18+s1], $0x2800, $0x38;
	[tilespmem:$0x1FF90] =	vst v63  }
0x8b: {  	s19 =	simm.s32 $0xF0  }
0x8c: {  	[spmem:s21] =	stream.indirect.scatter.add.f32 [tilespmem:s2], [sflag:$0x6], $0x80, s19, s9, $0xb8;
	[tilespmem:$0x1FF90] =	vst v63  }
0x8d: {  	_ =	swait.ge [sflag:s10], $0x2800  }
0x8e: {  	[sflag:s10] =	ssyncset.done $0x0  }
0x8f: {  	[sflag:s10] =	ssyncadd.s32 $0xFFFFD800  }
0x90: {  	_ =	swait.ge [sflag:s11], $0x2800  }
0x91: {  	[sflag:s11] =	ssyncset.done $0x0  }
0x92: {  	s16 =	rddreg [dreg:$0x13];
	[sflag:s11] =	ssyncadd.s32 $0xFFFFD800  }
0x93: {  	[tilespmem:s2], [sflag:$0x1] =	stream.linear.gather [hbm4b:s16+s1], $0x2800, $0x38;
	[tilespmem:$0x1FF90] =	vst v63  }
0x94: {  	s22 =	simm.s32 $0x140  }
0x95: {  	[spmem:s21] =	stream.indirect.scatter.add.f32 [tilespmem:s3], [sflag:$0x6], $0x80, s22, s9, $0xb8;
	[tilespmem:$0x1FF90] =	vst v63  }
0x96: {  	_ =	swait.ge [sflag:s10], $0x2800  }
0x97: {  	s13 =	simm.s32 $0x3C0;
	s14 =	sadd.s32 $0xF00, s14;
	[sflag:s10] =	ssyncset.done $0x0  }
.LBB2_4:
0x98: {  	[sflag:s10] =	ssyncadd.s32 $0xFFFFD800;
	s16 =	sadd.s32 $0xF00, s16;
	s18 =	sadd.s32 $0xF00, s18  }
0x99: {  	p0 =	sne.s32 s13, $0x9240;
	s19 =	smov.u32 s13;
	s13 =	sadd.s32 $0x3C0, s13  }
0x9a: {  	_ =	swait.ge [sflag:s12], $0x2800  }
0x9b: {  	[sflag:s12] =	ssyncset.done $0x0  }
0x9c: {  	s19 =	sshra.s32 s19, $0x2;
	[sflag:s12] =	ssyncadd.s32 $0xFFFFD800  }
0x9d: {  	[tilespmem:s3], [sflag:$0x2] =	stream.linear.gather [hbm4b:s14+s1], $0x2800, $0x38;
	[tilespmem:$0x1FF90] =	vst v63  }
0x9e: {  	s22 =	sadd.s32 $0xA0, s19  }
0x9f: {  	[spmem:s21] =	stream.indirect.scatter.add.f32 [tilespmem:s8], [sflag:$0x6], $0x80, s22, s9, $0xb8;
	[tilespmem:$0x1FF90] =	vst v63  }
0xa0: {  	_ =	swait.ge [sflag:s10], $0x2800  }
0xa1: {  	[sflag:s10] =	ssyncset.done $0x0  }
0xa2: {  	[sflag:s10] =	ssyncadd.s32 $0xFFFFD800  }
0xa3: {  	_ =	swait.ge [sflag:s7], $0x2800  }
0xa4: {  	[sflag:s7] =	ssyncset.done $0x0  }
0xa5: {  	[sflag:s7] =	ssyncadd.s32 $0xFFFFD800  }
0xa6: {  	[tilespmem:s8], [sflag:$0x3] =	stream.linear.gather [hbm4b:s18+s1], $0x2800, $0x38;
	[tilespmem:$0x1FF90] =	vst v63  }
0xa7: {  	s22 =	sadd.s32 $0xF0, s19  }
0xa8: {  	[spmem:s21] =	stream.indirect.scatter.add.f32 [tilespmem:s2], [sflag:$0x6], $0x80, s22, s9, $0xb8;
	[tilespmem:$0x1FF90] =	vst v63  }
0xa9: {  	_ =	swait.ge [sflag:s10], $0x2800  }
0xaa: {  	[sflag:s10] =	ssyncset.done $0x0  }
0xab: {  	[sflag:s10] =	ssyncadd.s32 $0xFFFFD800  }
0xac: {  	_ =	swait.ge [sflag:s11], $0x2800  }
0xad: {  	[sflag:s11] =	ssyncset.done $0x0  }
0xae: {  	[sflag:s11] =	ssyncadd.s32 $0xFFFFD800  }
0xaf: {  	[tilespmem:s2], [sflag:$0x1] =	stream.linear.gather [hbm4b:s16+s1], $0x2800, $0x38;
	[tilespmem:$0x1FF90] =	vst v63  }
.Ltmp1:
0xb0: {  	_ = 	snop;
	(pc) =	sbr.rel @p0 .LBB2_4-.Ltmp1, $4  }
0xb1: {  	s19 =	sadd.s32 $0x140, s19  }
0xb2: {  	[spmem:s21] =	stream.indirect.scatter.add.f32 [tilespmem:s3], [sflag:$0x6], $0x80, s19, s9, $0xb8;
	[tilespmem:$0x1FF90] =	vst v63  }
0xb3: {  	_ =	swait.ge [sflag:s10], $0x2800  }
0xb4: {  	s14 =	sadd.s32 $0xF00, s14;
	[sflag:s10] =	ssyncset.done $0x0  }
0xb5: {  	[sflag:s10] =	ssyncadd.s32 $0xFFFFD800  }
0xb6: {  	_ =	swait.ge [sflag:s12], $0x2800  }
0xb7: {  	[sflag:s12] =	ssyncset.done $0x0  }
0xb8: {  	s16 =	simm.s32 $0x0;
	s13 =	rddreg [dreg:$0xa];
	[sflag:s12] =	ssyncadd.s32 $0xFFFFD800  }
0xb9: {  	[tilespmem:s3], [sflag:$0x2] =	stream.linear.gather [hbm4b:s13+s16], $0x2800, $0x38;
	[tilespmem:$0x1FF90] =	vst v63  }
0xba: {  	_ = 	snop  }
0xbb: {  	[spmem:s21] =	stream.indirect.scatter.add.f32 [tilespmem:s8], [sflag:$0x6], $0x80, s17, s9, $0xb8;
	[tilespmem:$0x1FF90] =	vst v63  }
0xbc: {  	_ =	swait.ge [sflag:s10], $0x2800  }
0xbd: {  	[sflag:s10] =	ssyncset.done $0x0  }
0xbe: {  	[sflag:s10] =	ssyncadd.s32 $0xFFFFD800  }
0xbf: {  	_ =	swait.ge [sflag:s7], $0x2800  }
0xc0: {  	[sflag:s7] =	ssyncset.done $0x0  }
0xc1: {  	[sflag:s7] =	ssyncadd.s32 $0xFFFFD800  }
0xc2: {  	[spmem:s21] =	stream.indirect.scatter.add.f32 [tilespmem:s2], [sflag:$0x6], $0x80, s23, s9, $0xb8;
	[tilespmem:$0x1FF90] =	vst v63  }
0xc3: {  	_ =	swait.ge [sflag:s10], $0x2800  }
0xc4: {  	[sflag:s10] =	ssyncset.done $0x0  }
0xc5: {  	[sflag:s10] =	ssyncadd.s32 $0xFFFFD800  }
0xc6: {  	_ =	swait.ge [sflag:s11], $0x2800  }
0xc7: {  	[sflag:s11] =	ssyncset.done $0x0  }
0xc8: {  	[sflag:s11] =	ssyncadd.s32 $0xFFFFD800  }
0xc9: {  	[spmem:s21] =	stream.indirect.scatter.add.f32 [tilespmem:s3], [sflag:$0x6], $0x80, s15, s9, $0xb8;
	[tilespmem:$0x1FF90] =	vst v63  }
0xca: {  	_ =	swait.ge [sflag:s10], $0x2800  }
0xcb: {  	[sflag:s10] =	ssyncset.done $0x0  }
0xcc: {  	[sflag:s10] =	ssyncadd.s32 $0xFFFFD800  }
0xcd: {  	[spmem:s21] =	stream.indirect.scatter.add.f32 [tilespmem:s4], [sflag:$0x6], $0x80, s15, s9, $0xb8;
	[tilespmem:$0x1FF90] =	vst v63  }
0xce: {  	_ =	swait.ge [sflag:s10], $0x2800  }
0xcf: {  	[sflag:s10] =	ssyncset.done $0x0  }
0xd0: {  	s19 =	stileid.u32;
	[sflag:s10] =	ssyncadd.s32 $0xFFFFD800  }
0xd1: {  	s13 =	sshll.u32 s19, $0x6;
	[bflag:$0x0] =	sbarrier.arrive $0xFFFF  }
0xd2: {  	s14 =	sshrl.u32 s24, $0x3;
	s13 =	sor.u32 $0x1C06, s13;
	s22 =	rddreg [dreg:$0xb]  }
0xd3: {  	[hbm:s22], [sflag:s13] =	dma.local [spmem:s14], $0x2710  }
0xd4: {  	_ =	swait.ge [sflag:s10], $0x2710  }
0xd5: {  	[sflag:s10] =	ssyncset.done $0x0  }
0xd6: {  	[sflag:s10] =	ssyncadd.s32 $0xFFFFD8F0  }
0xd7: {  	[bflag:$0x0] =	sbarrier.arrive $0xFFFF  }
0xd8: {  	s23 =	rddreg [dreg:$0xc]  }
0xd9: {  	[tilespmem:s16], [sflag:$0x4] =	stream.linear.gather [hbm4b:s23+s16], $0x2710, $0x38;
	[tilespmem:$0x1FF90] =	vst v63  }
0xda: {  	s18 =	rddreg [dreg:$0xd]  }
0xdb: {  	[tilespmem:s2], [sflag:$0x1] =	stream.linear.gather [hbm4b:s18+s16], $0x2800, $0x38;
	[tilespmem:$0x1FF90] =	vst v63  }
0xdc: {  	s19 =	rddreg [dreg:$0xe]  }
0xdd: {  	[tilespmem:s3], [sflag:$0x2] =	stream.linear.gather [hbm4b:s19+s16], $0x2800, $0x38;
	[tilespmem:$0x1FF90] =	vst v63  }
0xde: {  	_ = 	snop  }
0xdf: {  	[spmem:s24] =	stream.linear.scatter [tilespmem:s4], [sflag:$0x5], $0x2800, $0x38;
	[tilespmem:$0x1FF90] =	vst v63  }
0xe0: {  	_ = 	snop  }
0xe1: {  	[spmem:s25] =	stream.linear.scatter [tilespmem:s4], [sflag:$0x5], $0x2800, $0x38;
	[tilespmem:$0x1FF90] =	vst v63  }
0xe2: {  	_ = 	snop  }
0xe3: {  	[spmem:s26] =	stream.linear.scatter [tilespmem:s4], [sflag:$0x5], $0x2800, $0x38;
	[tilespmem:$0x1FF90] =	vst v63  }
0xe4: {  	_ = 	snop  }
0xe5: {  	[spmem:s28] =	stream.linear.scatter [tilespmem:s4], [sflag:$0x5], $0x2800, $0x38;
	[tilespmem:$0x1FF90] =	vst v63  }
0xe6: {  	_ = 	snop  }
0xe7: {  	[spmem:s29] =	stream.linear.scatter [tilespmem:s4], [sflag:$0x5], $0x2800, $0x38;
	[tilespmem:$0x1FF90] =	vst v63  }
0xe8: {  	_ = 	snop  }
0xe9: {  	[spmem:s30] =	stream.linear.scatter [tilespmem:s4], [sflag:$0x5], $0x2800, $0x38;
	[tilespmem:$0x1FF90] =	vst v63  }
0xea: {  	_ = 	snop  }
0xeb: {  	[spmem:s31] =	stream.linear.scatter [tilespmem:s4], [sflag:$0x5], $0x2800, $0x38;
	[tilespmem:$0x1FF90] =	vst v63  }
0xec: {  	_ = 	snop  }
0xed: {  	[spmem:s20] =	stream.linear.scatter [tilespmem:s4], [sflag:$0x5], $0x2080, $0x38;
	[tilespmem:$0x1FF90] =	vst v63  }
0xee: {  	_ =	swait.ge [sflag:s5], $0x2800  }
0xef: {  	[sflag:s5] =	ssyncset.done $0x0  }
0xf0: {  	[sflag:s5] =	ssyncadd.s32 $0xFFFFD800  }
0xf1: {  	_ =	swait.ge [sflag:s5], $0x2800  }
0xf2: {  	[sflag:s5] =	ssyncset.done $0x0  }
0xf3: {  	[sflag:s5] =	ssyncadd.s32 $0xFFFFD800  }
0xf4: {  	_ =	swait.ge [sflag:s5], $0x2800  }
0xf5: {  	[sflag:s5] =	ssyncset.done $0x0  }
0xf6: {  	[sflag:s5] =	ssyncadd.s32 $0xFFFFD800  }
0xf7: {  	_ =	swait.ge [sflag:s5], $0x2800  }
0xf8: {  	[sflag:s5] =	ssyncset.done $0x0  }
0xf9: {  	[sflag:s5] =	ssyncadd.s32 $0xFFFFD800  }
0xfa: {  	_ =	swait.ge [sflag:s5], $0x2800  }
0xfb: {  	[sflag:s5] =	ssyncset.done $0x0  }
0xfc: {  	[sflag:s5] =	ssyncadd.s32 $0xFFFFD800  }
0xfd: {  	_ =	swait.ge [sflag:s5], $0x2800  }
0xfe: {  	[sflag:s5] =	ssyncset.done $0x0  }
0xff: {  	[sflag:s5] =	ssyncadd.s32 $0xFFFFD800  }
0x100: {  	_ =	swait.ge [sflag:s5], $0x2800  }
0x101: {  	[sflag:s5] =	ssyncset.done $0x0  }
0x102: {  	[sflag:s5] =	ssyncadd.s32 $0xFFFFD800  }
0x103: {  	_ =	swait.ge [sflag:s5], $0x2080  }
0x104: {  	[sflag:s5] =	ssyncset.done $0x0  }
0x105: {  	[sflag:s5] =	ssyncadd.s32 $0xFFFFDF80  }
0x106: {  	_ =	swait.ge [sflag:s6], $0x2710  }
0x107: {  	[sflag:s6] =	ssyncset.done $0x0  }
0x108: {  	[sflag:s6] =	ssyncadd.s32 $0xFFFFD8F0  }
0x109: {  	[bflag:$0x0] =	sbarrier.arrive $0xFFFF  }
0x10a: {  	_ =	swait.ge [sflag:s7], $0x2800  }
0x10b: {  	[sflag:s7] =	ssyncset.done $0x0  }
0x10c: {  	s22 =	rddreg [dreg:$0xf];
	[sflag:s7] =	ssyncadd.s32 $0xFFFFD800  }
0x10d: {  	[tilespmem:s8], [sflag:$0x3] =	stream.linear.gather [hbm4b:s22+s16], $0x2800, $0x38;
	[tilespmem:$0x1FF90] =	vst v63  }
0x10e: {  	_ = 	snop  }
0x10f: {  	[spmem:s21] =	stream.indirect.scatter.add.f32 [tilespmem:s2], [sflag:$0x6], $0x80, s16, s9, $0xb8;
	[tilespmem:$0x1FF90] =	vst v63  }
0x110: {  	_ =	swait.ge [sflag:s10], $0x2800  }
0x111: {  	[sflag:s10] =	ssyncset.done $0x0  }
0x112: {  	[sflag:s10] =	ssyncadd.s32 $0xFFFFD800  }
0x113: {  	_ =	swait.ge [sflag:s11], $0x2800  }
0x114: {  	[sflag:s11] =	ssyncset.done $0x0  }
0x115: {  	s23 =	rddreg [dreg:$0x10];
	[sflag:s11] =	ssyncadd.s32 $0xFFFFD800  }
0x116: {  	[tilespmem:s2], [sflag:$0x1] =	stream.linear.gather [hbm4b:s23+s16], $0x2800, $0x38;
	[tilespmem:$0x1FF90] =	vst v63  }
0x117: {  	_ = 	snop  }
0x118: {  	[spmem:s21] =	stream.indirect.scatter.add.f32 [tilespmem:s3], [sflag:$0x6], $0x80, s9, s9, $0xb8;
	[tilespmem:$0x1FF90] =	vst v63  }
0x119: {  	_ =	swait.ge [sflag:s10], $0x2800  }
0x11a: {  	[sflag:s10] =	ssyncset.done $0x0  }
0x11b: {  	[sflag:s10] =	ssyncadd.s32 $0xFFFFD800  }
0x11c: {  	_ =	swait.ge [sflag:s12], $0x2800  }
0x11d: {  	[sflag:s12] =	ssyncset.done $0x0  }
0x11e: {  	s17 =	rddreg [dreg:$0x18];
	[sflag:s12] =	ssyncadd.s32 $0xFFFFD800  }
0x11f: {  	[tilespmem:s3], [sflag:$0x2] =	stream.linear.gather [hbm4b:s17+s1], $0x2800, $0x38;
	[tilespmem:$0x1FF90] =	vst v63  }
0x120: {  	s18 =	simm.s32 $0xA0  }
0x121: {  	[spmem:s21] =	stream.indirect.scatter.add.f32 [tilespmem:s8], [sflag:$0x6], $0x80, s18, s9, $0xb8;
	[tilespmem:$0x1FF90] =	vst v63  }
0x122: {  	_ =	swait.ge [sflag:s10], $0x2800  }
0x123: {  	[sflag:s10] =	ssyncset.done $0x0  }
0x124: {  	[sflag:s10] =	ssyncadd.s32 $0xFFFFD800  }
0x125: {  	_ =	swait.ge [sflag:s7], $0x2800  }
0x126: {  	[sflag:s7] =	ssyncset.done $0x0  }
0x127: {  	s22 =	rddreg [dreg:$0x17];
	[sflag:s7] =	ssyncadd.s32 $0xFFFFD800  }
0x128: {  	[tilespmem:s8], [sflag:$0x3] =	stream.linear.gather [hbm4b:s22+s1], $0x2800, $0x38;
	[tilespmem:$0x1FF90] =	vst v63  }
0x129: {  	s19 =	simm.s32 $0xF0  }
0x12a: {  	[spmem:s21] =	stream.indirect.scatter.add.f32 [tilespmem:s2], [sflag:$0x6], $0x80, s19, s9, $0xb8;
	[tilespmem:$0x1FF90] =	vst v63  }
0x12b: {  	_ =	swait.ge [sflag:s10], $0x2800  }
0x12c: {  	[sflag:s10] =	ssyncset.done $0x0  }
0x12d: {  	[sflag:s10] =	ssyncadd.s32 $0xFFFFD800  }
0x12e: {  	_ =	swait.ge [sflag:s11], $0x2800  }
0x12f: {  	[sflag:s11] =	ssyncset.done $0x0  }
0x130: {  	s19 =	rddreg [dreg:$0x16];
	[sflag:s11] =	ssyncadd.s32 $0xFFFFD800  }
0x131: {  	[tilespmem:s2], [sflag:$0x1] =	stream.linear.gather [hbm4b:s19+s1], $0x2800, $0x38;
	[tilespmem:$0x1FF90] =	vst v63  }
0x132: {  	s23 =	simm.s32 $0x140  }
0x133: {  	[spmem:s21] =	stream.indirect.scatter.add.f32 [tilespmem:s3], [sflag:$0x6], $0x80, s23, s9, $0xb8;
	[tilespmem:$0x1FF90] =	vst v63  }
0x134: {  	_ =	swait.ge [sflag:s10], $0x2800  }
0x135: {  	s16 =	simm.s32 $0x3C0;
	s18 =	sadd.s32 $0xF00, s17;
	[sflag:s10] =	ssyncset.done $0x0  }
.LBB2_6:
0x136: {  	[sflag:s10] =	ssyncadd.s32 $0xFFFFD800;
	s19 =	sadd.s32 $0xF00, s19;
	s22 =	sadd.s32 $0xF00, s22  }
0x137: {  	p0 =	sne.s32 s16, $0x9240;
	s23 =	smov.u32 s16;
	s16 =	sadd.s32 $0x3C0, s16  }
0x138: {  	_ =	swait.ge [sflag:s12], $0x2800  }
0x139: {  	[sflag:s12] =	ssyncset.done $0x0  }
0x13a: {  	s23 =	sshra.s32 s23, $0x2;
	[sflag:s12] =	ssyncadd.s32 $0xFFFFD800  }
0x13b: {  	[tilespmem:s3], [sflag:$0x2] =	stream.linear.gather [hbm4b:s18+s1], $0x2800, $0x38;
	[tilespmem:$0x1FF90] =	vst v63  }
0x13c: {  	s17 =	sadd.s32 $0xA0, s23  }
0x13d: {  	[spmem:s21] =	stream.indirect.scatter.add.f32 [tilespmem:s8], [sflag:$0x6], $0x80, s17, s9, $0xb8;
	[tilespmem:$0x1FF90] =	vst v63  }
0x13e: {  	_ =	swait.ge [sflag:s10], $0x2800  }
0x13f: {  	[sflag:s10] =	ssyncset.done $0x0  }
0x140: {  	[sflag:s10] =	ssyncadd.s32 $0xFFFFD800  }
0x141: {  	_ =	swait.ge [sflag:s7], $0x2800  }
0x142: {  	[sflag:s7] =	ssyncset.done $0x0  }
0x143: {  	[sflag:s7] =	ssyncadd.s32 $0xFFFFD800  }
0x144: {  	[tilespmem:s8], [sflag:$0x3] =	stream.linear.gather [hbm4b:s22+s1], $0x2800, $0x38;
	[tilespmem:$0x1FF90] =	vst v63  }
0x145: {  	s17 =	sadd.s32 $0xF0, s23  }
0x146: {  	[spmem:s21] =	stream.indirect.scatter.add.f32 [tilespmem:s2], [sflag:$0x6], $0x80, s17, s9, $0xb8;
	[tilespmem:$0x1FF90] =	vst v63  }
0x147: {  	_ =	swait.ge [sflag:s10], $0x2800  }
0x148: {  	[sflag:s10] =	ssyncset.done $0x0  }
0x149: {  	[sflag:s10] =	ssyncadd.s32 $0xFFFFD800  }
0x14a: {  	_ =	swait.ge [sflag:s11], $0x2800  }
0x14b: {  	[sflag:s11] =	ssyncset.done $0x0  }
0x14c: {  	[sflag:s11] =	ssyncadd.s32 $0xFFFFD800  }
0x14d: {  	[tilespmem:s2], [sflag:$0x1] =	stream.linear.gather [hbm4b:s19+s1], $0x2800, $0x38;
	[tilespmem:$0x1FF90] =	vst v63  }
.Ltmp2:
0x14e: {  	_ = 	snop;
	(pc) =	sbr.rel @p0 .LBB2_6-.Ltmp2, $4  }
0x14f: {  	s17 =	sadd.s32 $0x140, s23  }
0x150: {  	[spmem:s21] =	stream.indirect.scatter.add.f32 [tilespmem:s3], [sflag:$0x6], $0x80, s17, s9, $0xb8;
	[tilespmem:$0x1FF90] =	vst v63  }
0x151: {  	_ =	swait.ge [sflag:s10], $0x2800  }
0x152: {  	s18 =	sadd.s32 $0xF00, s18;
	[sflag:s10] =	ssyncset.done $0x0  }
0x153: {  	[sflag:s10] =	ssyncadd.s32 $0xFFFFD800  }
0x154: {  	_ =	swait.ge [sflag:s12], $0x2800  }
0x155: {  	[sflag:s12] =	ssyncset.done $0x0  }
0x156: {  	s16 =	rddreg [dreg:$0x11];
	[sflag:s12] =	ssyncadd.s32 $0xFFFFD800  }
0x157: {  	[tilespmem:s3], [sflag:$0x2] =	stream.linear.gather [hbm4b:s16+s1], $0x2800, $0x38;
	[tilespmem:$0x1FF90] =	vst v63  }
0x158: {  	s17 =	simm.s32 $0x2620  }
0x159: {  	[spmem:s21] =	stream.indirect.scatter.add.f32 [tilespmem:s8], [sflag:$0x6], $0x80, s17, s9, $0xb8;
	[tilespmem:$0x1FF90] =	vst v63  }
0x15a: {  	_ =	swait.ge [sflag:s10], $0x2800  }
0x15b: {  	[sflag:s10] =	ssyncset.done $0x0  }
0x15c: {  	[sflag:s10] =	ssyncadd.s32 $0xFFFFD800  }
0x15d: {  	_ =	swait.ge [sflag:s7], $0x2800  }
0x15e: {  	[sflag:s7] =	ssyncset.done $0x0  }
0x15f: {  	s23 =	simm.s32 $0x2670;
	[sflag:s7] =	ssyncadd.s32 $0xFFFFD800  }
0x160: {  	[spmem:s21] =	stream.indirect.scatter.add.f32 [tilespmem:s2], [sflag:$0x6], $0x80, s23, s9, $0xb8;
	[tilespmem:$0x1FF90] =	vst v63  }
0x161: {  	_ =	swait.ge [sflag:s10], $0x2800  }
0x162: {  	[sflag:s10] =	ssyncset.done $0x0  }
0x163: {  	[sflag:s10] =	ssyncadd.s32 $0xFFFFD800  }
0x164: {  	_ =	swait.ge [sflag:s11], $0x2800  }
0x165: {  	[sflag:s11] =	ssyncset.done $0x0  }
0x166: {  	[sflag:s11] =	ssyncadd.s32 $0xFFFFD800  }
0x167: {  	[spmem:s21] =	stream.indirect.scatter.add.f32 [tilespmem:s3], [sflag:$0x6], $0x80, s15, s9, $0xb8;
	[tilespmem:$0x1FF90] =	vst v63  }
0x168: {  	_ =	swait.ge [sflag:s10], $0x2800  }
0x169: {  	[sflag:s10] =	ssyncset.done $0x0  }
0x16a: {  	[sflag:s10] =	ssyncadd.s32 $0xFFFFD800  }
0x16b: {  	[spmem:s21] =	stream.indirect.scatter.add.f32 [tilespmem:s4], [sflag:$0x6], $0x80, s15, s9, $0xb8;
	[tilespmem:$0x1FF90] =	vst v63  }
0x16c: {  	_ =	swait.ge [sflag:s10], $0x2800  }
0x16d: {  	[sflag:s10] =	ssyncset.done $0x0  }
0x16e: {  	[sflag:s10] =	ssyncadd.s32 $0xFFFFD800  }
0x16f: {  	[bflag:$0x0] =	sbarrier.arrive $0xFFFF  }
0x170: {  	s19 =	rddreg [dreg:$0x12]  }
0x171: {  	[hbm:s19], [sflag:s13] =	dma.local [spmem:s14], $0x2710  }
0x172: {  	_ =	swait.ge [sflag:s10], $0x2710  }
0x173: {  	s0 =	sadd.s32 $0x1, s0;
	s22 =	rddreg [dreg:$0x19]  }
0x174: {  	p0 =	sne.s32 s0, s22  }
.Ltmp3:
0x175: {  	_ = 	snop;
	(pc) =	sbr.rel @p0 .LBB2_1-.Ltmp3, $3  }
0x176: {  	_ =	sdelay $0x1  }
0x177: {  	[sflag:s10] =	ssyncset.done $0x0  }
0x178: {  	[sflag:s10] =	ssyncadd.s32 $0xFFFFD8F0  }
0x179: {  	_ =	sfence.sel $0x180000  }
0x17a: {  	[bflag:$0x0] =	sbarrier.arrive $0xFFFF  }
0x17b: {  	_ =	strace $0x90000047  }
0x17c: {  	s0 =	stileid.u32;
	[bflag:$0x2] =	sbarrier.arrive $0xFFFF  }
0x17d: {  	p0 =	sne.s32 s0, $0x0;
	s0 =	rddreg [dreg:$0x4]  }
0x17e: {  	s0 =	sadd.s32 @!p0 $0x100000, s0  }
0x17f: {  	[sflag:s0] =	ssyncadd.tile.s32 @!p0 $0x1;
	_ =	shalt  }
.Lfunc_end2:
_tile_overlayer_lowered:
.L_overlay_start_2:
0x180: {  	(tag) =	ssettag $0x2  }
0x181: {  	s0 =	rddreg [dreg:$0x0];
	s2 =	stileid.u32  }
0x182: {  	s1 =	rddreg [dreg:$0x1];
	p0 =	sne.s32 s2, $0x0  }
0x183: {  	s3 =	rddreg [dreg:$0x2];
	[bflag:$0x3] =	sbarrier.arrive $0xFFFF;
	s2 =	simm.s32 @!p0 $0x1C06  }
0x184: {  	[timem:s3], [sflag:s2] =	dma.local @!p0 [hbm:s0], s1  }
0x185: {  	s0 =	simm.s32 @!p0 $0x6  }
0x186: {  	_ =	swait.ge @!p0 [sflag:s0], s1  }
0x187: {  	s1 =	ssub.s32 @!p0 $0x0, s1;
	[sflag:s0] =	ssyncset.done @!p0 $0x0  }
0x188: {  	[sflag:s0] =	ssyncadd.s32 @!p0 s1  }
0x189: {  	[bflag:$0x3] =	sbarrier.arrive $0xFFFF  }
0x18a: {  	_ =	shalt  }

</sc_bundles>
